<compile_context>
chip_gen: v7x
topology: tpu7x:2x2x1
jax: 0.10.2.dev20260603
libtpu: 0.0.44.dev20260713+nightly
codegen_flags: <defaults>
</compile_context>

<pallas_src>
import functools

import jax
import jax.numpy as jnp
import numpy as np
from jax.experimental import pallas as pl

N = 20000
B = 4
PRE_NMS_TOP_N = 2000
POST_NMS_TOP_N = 1000
NMS_THRESH = 0.7
SCORE_THRESH = 0.0
MIN_SIZE = 1.0
IMG_H, IMG_W = 800.0, 1333.0
BBOX_XFORM_CLIP = float(np.log(1000.0 / 16.0))


def _decode_kernel(dx_ref, dy_ref, dw_ref, dh_ref,
                   ax1_ref, ay1_ref, ax2_ref, ay2_ref, logit_ref,
                   x1_ref, y1_ref, x2_ref, y2_ref, score_ref):
    ax1 = ax1_ref[...]
    ay1 = ay1_ref[...]
    wa = ax2_ref[...] - ax1
    ha = ay2_ref[...] - ay1
    cxa = ax1 + 0.5 * wa
    cya = ay1 + 0.5 * ha
    dw = jnp.minimum(dw_ref[...], BBOX_XFORM_CLIP)
    dh = jnp.minimum(dh_ref[...], BBOX_XFORM_CLIP)
    pcx = dx_ref[...] * wa + cxa
    pcy = dy_ref[...] * ha + cya
    pw = jnp.exp(dw) * wa
    ph = jnp.exp(dh) * ha
    x1 = jnp.clip(pcx - 0.5 * pw, 0.0, IMG_W)
    y1 = jnp.clip(pcy - 0.5 * ph, 0.0, IMG_H)
    x2 = jnp.clip(pcx + 0.5 * pw, 0.0, IMG_W)
    y2 = jnp.clip(pcy + 0.5 * ph, 0.0, IMG_H)
    scores = jax.nn.sigmoid(logit_ref[...])
    valid = ((x2 - x1) >= MIN_SIZE) & ((y2 - y1) >= MIN_SIZE) & (scores > SCORE_THRESH)
    x1_ref[...] = x1
    y1_ref[...] = y1
    x2_ref[...] = x2
    y2_ref[...] = y2
    score_ref[...] = jnp.where(valid, scores, -1.0)


def _nms_kernel(x1_ref, y1_ref, x2_ref, y2_ref, score_ref, out_ref):
    x1 = x1_ref[...]
    y1 = y1_ref[...]
    x2 = x2_ref[...]
    y2 = y2_ref[...]
    area = (x2 - x1) * (y2 - y1)
    idx = jax.lax.broadcasted_iota(jnp.int32, x1.shape, 1)
    packed = jnp.concatenate([x1, y1, x2, y2, area], axis=0)
    idxp = jax.lax.broadcasted_iota(jnp.int32, packed.shape, 1)

    def body(i, keep):
        zero = jnp.float32(0.0)
        p = jnp.sum(jnp.where(idxp == i, packed, zero), axis=1, keepdims=True)
        x1i, y1i, x2i, y2i, area_i = p[0:4], p[4:8], p[8:12], p[12:16], p[16:20]
        keep_i = jnp.sum(jnp.where(idx == i, keep, zero), axis=1, keepdims=True)
        w = jnp.clip(jnp.minimum(x2, x2i) - jnp.maximum(x1, x1i), 0.0, None)
        h = jnp.clip(jnp.minimum(y2, y2i) - jnp.maximum(y1, y1i), 0.0, None)
        inter = w * h
        iou = inter / (area + area_i - inter + 1e-9)
        sup = (iou > NMS_THRESH) & (keep_i > 0.5) & (idx > i)
        return jnp.where(sup, zero, keep)

    keep = jax.lax.fori_loop(0, PRE_NMS_TOP_N,
                             body, jnp.ones(x1.shape, jnp.float32))
    out_ref[...] = jnp.where(keep > 0.5, score_ref[...], -1.0)


@jax.jit
def kernel(objectness, pred_bbox_deltas, anchors):
    top_logits, top_idx = jax.lax.top_k(objectness, PRE_NMS_TOP_N)
    d = jnp.take_along_axis(pred_bbox_deltas, top_idx[..., None], axis=1)
    a = anchors[top_idx]

    vec = pl.BlockSpec((B, PRE_NMS_TOP_N), lambda: (0, 0))
    x1, y1, x2, y2, scores = pl.pallas_call(
        _decode_kernel,
        grid=(),
        in_specs=[vec] * 9,
        out_specs=[vec] * 5,
        out_shape=[jax.ShapeDtypeStruct((B, PRE_NMS_TOP_N), jnp.float32)] * 5,
    )(d[..., 0], d[..., 1], d[..., 2], d[..., 3],
      a[..., 0], a[..., 1], a[..., 2], a[..., 3], top_logits)

    order = jnp.argsort(-scores, axis=1)
    x1s = jnp.take_along_axis(x1, order, axis=1)
    y1s = jnp.take_along_axis(y1, order, axis=1)
    x2s = jnp.take_along_axis(x2, order, axis=1)
    y2s = jnp.take_along_axis(y2, order, axis=1)
    ss = jnp.take_along_axis(scores, order, axis=1)

    final_scores = pl.pallas_call(
        _nms_kernel,
        grid=(),
        in_specs=[vec] * 5,
        out_specs=vec,
        out_shape=jax.ShapeDtypeStruct((B, PRE_NMS_TOP_N), jnp.float32),
    )(x1s, y1s, x2s, y2s, ss)

    _, keep_idx = jax.lax.top_k(final_scores, POST_NMS_TOP_N)
    boxes = jnp.stack([x1s, y1s, x2s, y2s], axis=-1)
    return jnp.take_along_axis(boxes, keep_idx[..., None], axis=1)

# --- scband reference (transcript-rebuilt; emitter-appended) ---
"""Pipeline reference for scband-region-proposal-network-16277926052392 (READ-ONLY COPY).

The authoritative reference and input builder live on the scoring server;
editing this copy changes nothing except your own understanding.
"""

import jax, jax.numpy as jnp
import numpy as np

N = 20000
B = 4
PRE_NMS_TOP_N = 2000
POST_NMS_TOP_N = 1000
NMS_THRESH = 0.7
SCORE_THRESH = 0.0
MIN_SIZE = 1.0
IMG_H, IMG_W = 800.0, 1333.0
BBOX_XFORM_CLIP = float(np.log(1000.0 / 16.0))


def setup_inputs(seed: int = 0):
    key = jax.random.key(seed)
    k1, k2, k3 = jax.random.split(key, 3)
    raw = jax.random.uniform(k1, (N, 4))
    cx = raw[:, 0] * IMG_W
    cy = raw[:, 1] * IMG_H
    w = raw[:, 2] * 256.0 + 16.0
    h = raw[:, 3] * 256.0 + 16.0
    anchors = jnp.stack([cx - 0.5 * w, cy - 0.5 * h, cx + 0.5 * w, cy + 0.5 * h], axis=1).astype(jnp.float32)
    objectness = jax.random.normal(k2, (B, N), dtype=jnp.float32)
    pred_bbox_deltas = jax.random.normal(k3, (B, N, 4), dtype=jnp.float32) * 0.1
    return {"objectness": objectness, "pred_bbox_deltas": pred_bbox_deltas, "anchors": anchors}


def _decode(d, a):
    # BoxCoder.decode with weights (1,1,1,1)
    wa = a[:, 2] - a[:, 0]
    ha = a[:, 3] - a[:, 1]
    cxa = a[:, 0] + 0.5 * wa
    cya = a[:, 1] + 0.5 * ha
    dx, dy, dw, dh = d[:, 0], d[:, 1], d[:, 2], d[:, 3]
    dw = jnp.minimum(dw, BBOX_XFORM_CLIP)
    dh = jnp.minimum(dh, BBOX_XFORM_CLIP)
    pcx = dx * wa + cxa
    pcy = dy * ha + cya
    pw = jnp.exp(dw) * wa
    ph = jnp.exp(dh) * ha
    return jnp.stack([pcx - 0.5 * pw, pcy - 0.5 * ph, pcx + 0.5 * pw, pcy + 0.5 * ph], axis=1)


def _pairwise_iou(b):
    area = (b[:, 2] - b[:, 0]) * (b[:, 3] - b[:, 1])
    lt = jnp.maximum(b[:, None, :2], b[None, :, :2])
    rb = jnp.minimum(b[:, None, 2:], b[None, :, 2:])
    wh = jnp.clip(rb - lt, 0.0, None)
    inter = wh[..., 0] * wh[..., 1]
    return inter / (area[:, None] + area[None, :] - inter + 1e-9)


def _nms_keep(iou):
    M = iou.shape[0]
    idxs = jnp.arange(M)

    def body(keep, i):
        sup = (iou[i] > NMS_THRESH) & keep[i] & (idxs > i)
        return keep & (~sup), None

    keep, _ = jax.lax.scan(body, jnp.ones((M,), dtype=bool), jnp.arange(M))
    return keep


def _forward(objectness, pred_bbox_deltas, anchors):
    def per_image(obj, dlt):
        # pre-NMS top-k on objectness logits
        top_logits, top_idx = jax.lax.top_k(obj, PRE_NMS_TOP_N)
        d = dlt[top_idx]
        a = anchors[top_idx]
        boxes = _decode(d, a)
        # clip to image
        x1 = jnp.clip(boxes[:, 0], 0.0, IMG_W)
        y1 = jnp.clip(boxes[:, 1], 0.0, IMG_H)
        x2 = jnp.clip(boxes[:, 2], 0.0, IMG_W)
        y2 = jnp.clip(boxes[:, 3], 0.0, IMG_H)
        boxes = jnp.stack([x1, y1, x2, y2], axis=1)
        scores = jax.nn.sigmoid(top_logits)
        # remove small boxes / low scores (masking keeps static shapes)
        valid = ((x2 - x1) >= MIN_SIZE) & ((y2 - y1) >= MIN_SIZE) & (scores > SCORE_THRESH)
        scores = jnp.where(valid, scores, -1.0)
        order = jnp.argsort(-scores)
        boxes = boxes[order]
        scores = scores[order]
        iou = _pairwise_iou(jax.lax.stop_gradient(boxes))
        keep = _nms_keep(iou)
        final_scores = jnp.where(keep, scores, -1.0)
        _, keep_idx = jax.lax.top_k(final_scores, POST_NMS_TOP_N)
        return boxes[keep_idx]

    return jax.vmap(per_image)(objectness, pred_bbox_deltas)


def reference(objectness, pred_bbox_deltas, anchors):
    return _forward(objectness, pred_bbox_deltas, anchors)

if __name__ == "__main__":
    import jax
    _d = setup_inputs()
    print(jax.jit(kernel)(*tuple(_d.values())))

</pallas_src>

<mosaic_0001>
module attributes {stable_mosaic.version = 14 : i64} {
  func.func @_decode_kernel(%arg0: memref<4x2000xf32, #tpu.memory_space<vmem>>, %arg1: memref<4x2000xf32, #tpu.memory_space<vmem>>, %arg2: memref<4x2000xf32, #tpu.memory_space<vmem>>, %arg3: memref<4x2000xf32, #tpu.memory_space<vmem>>, %arg4: memref<4x2000xf32, #tpu.memory_space<vmem>>, %arg5: memref<4x2000xf32, #tpu.memory_space<vmem>>, %arg6: memref<4x2000xf32, #tpu.memory_space<vmem>>, %arg7: memref<4x2000xf32, #tpu.memory_space<vmem>>, %arg8: memref<4x2000xf32, #tpu.memory_space<vmem>>, %arg9: memref<4x2000xf32, #tpu.memory_space<vmem>>, %arg10: memref<4x2000xf32, #tpu.memory_space<vmem>>, %arg11: memref<4x2000xf32, #tpu.memory_space<vmem>>, %arg12: memref<4x2000xf32, #tpu.memory_space<vmem>>, %arg13: memref<4x2000xf32, #tpu.memory_space<vmem>>) attributes {dimension_semantics = [], scalar_prefetch = 0 : i64, scratch_operands = 0 : i64, tpu.core_type = #tpu.core_type<tc>} {
    %get3A = arith.constant 0 : index
    %get3A_0 = arith.constant 0 : index
    %get3A_1 = vector.load %arg4[%get3A, %get3A_0] : memref<4x2000xf32, #tpu.memory_space<vmem>>, vector<4x2000xf32>
    %get3A_2 = arith.constant 0 : index
    %get3A_3 = arith.constant 0 : index
    %get3A_4 = vector.load %arg5[%get3A_2, %get3A_3] : memref<4x2000xf32, #tpu.memory_space<vmem>>, vector<4x2000xf32>
    %get3A_5 = arith.constant 0 : index
    %get3A_6 = arith.constant 0 : index
    %get3A_7 = vector.load %arg6[%get3A_5, %get3A_6] : memref<4x2000xf32, #tpu.memory_space<vmem>>, vector<4x2000xf32>
    %sub3A = arith.subf %get3A_7, %get3A_1 : vector<4x2000xf32>
    %get3A_8 = arith.constant 0 : index
    %get3A_9 = arith.constant 0 : index
    %get3A_10 = vector.load %arg7[%get3A_8, %get3A_9] : memref<4x2000xf32, #tpu.memory_space<vmem>>, vector<4x2000xf32>
    %sub3A_11 = arith.subf %get3A_10, %get3A_4 : vector<4x2000xf32>
    %mul3A = arith.constant 5.000000e-01 : f32
    %mul3A_12 = vector.broadcast %mul3A : f32 to vector<4x2000xf32>
    %mul3A_13 = arith.mulf %mul3A_12, %sub3A : vector<4x2000xf32>
    %add3A = arith.addf %get3A_1, %mul3A_13 : vector<4x2000xf32>
    %mul3A_14 = arith.constant 5.000000e-01 : f32
    %mul3A_15 = vector.broadcast %mul3A_14 : f32 to vector<4x2000xf32>
    %mul3A_16 = arith.mulf %mul3A_15, %sub3A_11 : vector<4x2000xf32>
    %add3A_17 = arith.addf %get3A_4, %mul3A_16 : vector<4x2000xf32>
    %get3A_18 = arith.constant 0 : index
    %get3A_19 = arith.constant 0 : index
    %get3A_20 = vector.load %arg2[%get3A_18, %get3A_19] : memref<4x2000xf32, #tpu.memory_space<vmem>>, vector<4x2000xf32>
    %min3A = arith.constant 4.13516665 : f32
    %min3A_21 = vector.broadcast %min3A : f32 to vector<4x2000xf32>
    %min3A_22 = arith.minimumf %get3A_20, %min3A_21 : vector<4x2000xf32>
    %get3A_23 = arith.constant 0 : index
    %get3A_24 = arith.constant 0 : index
    %get3A_25 = vector.load %arg3[%get3A_23, %get3A_24] : memref<4x2000xf32, #tpu.memory_space<vmem>>, vector<4x2000xf32>
    %min3A_26 = arith.constant 4.13516665 : f32
    %min3A_27 = vector.broadcast %min3A_26 : f32 to vector<4x2000xf32>
    %min3A_28 = arith.minimumf %get3A_25, %min3A_27 : vector<4x2000xf32>
    %get3A_29 = arith.constant 0 : index
    %get3A_30 = arith.constant 0 : index
    %get3A_31 = vector.load %arg0[%get3A_29, %get3A_30] : memref<4x2000xf32, #tpu.memory_space<vmem>>, vector<4x2000xf32>
    %mul3A_32 = arith.mulf %get3A_31, %sub3A : vector<4x2000xf32>
    %add3A_33 = arith.addf %mul3A_32, %add3A : vector<4x2000xf32>
    %get3A_34 = arith.constant 0 : index
    %get3A_35 = arith.constant 0 : index
    %get3A_36 = vector.load %arg1[%get3A_34, %get3A_35] : memref<4x2000xf32, #tpu.memory_space<vmem>>, vector<4x2000xf32>
    %mul3A_37 = arith.mulf %get3A_36, %sub3A_11 : vector<4x2000xf32>
    %add3A_38 = arith.addf %mul3A_37, %add3A_17 : vector<4x2000xf32>
    %exp3A = math.exp %min3A_22 : vector<4x2000xf32>
    %mul3A_39 = arith.mulf %exp3A, %sub3A : vector<4x2000xf32>
    %exp3A_40 = math.exp %min3A_28 : vector<4x2000xf32>
    %mul3A_41 = arith.mulf %exp3A_40, %sub3A_11 : vector<4x2000xf32>
    %mul3A_42 = arith.constant 5.000000e-01 : f32
    %mul3A_43 = vector.broadcast %mul3A_42 : f32 to vector<4x2000xf32>
    %mul3A_44 = arith.mulf %mul3A_43, %mul3A_39 : vector<4x2000xf32>
    %sub3A_45 = arith.subf %add3A_33, %mul3A_44 : vector<4x2000xf32>
    %jit3A = arith.constant 0.000000e+00 : f32
    %jit3A_46 = arith.constant 1.333000e+03 : f32
    %max3A = vector.broadcast %jit3A : f32 to vector<4x2000xf32>
    %max3A_47 = arith.maximumf %max3A, %sub3A_45 : vector<4x2000xf32>
    %min3A_48 = vector.broadcast %jit3A_46 : f32 to vector<4x2000xf32>
    %min3A_49 = arith.minimumf %min3A_48, %max3A_47 : vector<4x2000xf32>
    %mul3A_50 = arith.constant 5.000000e-01 : f32
    %mul3A_51 = vector.broadcast %mul3A_50 : f32 to vector<4x2000xf32>
    %mul3A_52 = arith.mulf %mul3A_51, %mul3A_41 : vector<4x2000xf32>
    %sub3A_53 = arith.subf %add3A_38, %mul3A_52 : vector<4x2000xf32>
    %jit3A_54 = arith.constant 0.000000e+00 : f32
    %jit3A_55 = arith.constant 8.000000e+02 : f32
    %max3A_56 = vector.broadcast %jit3A_54 : f32 to vector<4x2000xf32>
    %max3A_57 = arith.maximumf %max3A_56, %sub3A_53 : vector<4x2000xf32>
    %min3A_58 = vector.broadcast %jit3A_55 : f32 to vector<4x2000xf32>
    %min3A_59 = arith.minimumf %min3A_58, %max3A_57 : vector<4x2000xf32>
    %mul3A_60 = arith.constant 5.000000e-01 : f32
    %mul3A_61 = vector.broadcast %mul3A_60 : f32 to vector<4x2000xf32>
    %mul3A_62 = arith.mulf %mul3A_61, %mul3A_39 : vector<4x2000xf32>
    %add3A_63 = arith.addf %add3A_33, %mul3A_62 : vector<4x2000xf32>
    %jit3A_64 = arith.constant 0.000000e+00 : f32
    %jit3A_65 = arith.constant 1.333000e+03 : f32
    %max3A_66 = vector.broadcast %jit3A_64 : f32 to vector<4x2000xf32>
    %max3A_67 = arith.maximumf %max3A_66, %add3A_63 : vector<4x2000xf32>
    %min3A_68 = vector.broadcast %jit3A_65 : f32 to vector<4x2000xf32>
    %min3A_69 = arith.minimumf %min3A_68, %max3A_67 : vector<4x2000xf32>
    %mul3A_70 = arith.constant 5.000000e-01 : f32
    %mul3A_71 = vector.broadcast %mul3A_70 : f32 to vector<4x2000xf32>
    %mul3A_72 = arith.mulf %mul3A_71, %mul3A_41 : vector<4x2000xf32>
    %add3A_73 = arith.addf %add3A_38, %mul3A_72 : vector<4x2000xf32>
    %jit3A_74 = arith.constant 0.000000e+00 : f32
    %jit3A_75 = arith.constant 8.000000e+02 : f32
    %max3A_76 = vector.broadcast %jit3A_74 : f32 to vector<4x2000xf32>
    %max3A_77 = arith.maximumf %max3A_76, %add3A_73 : vector<4x2000xf32>
    %min3A_78 = vector.broadcast %jit3A_75 : f32 to vector<4x2000xf32>
    %min3A_79 = arith.minimumf %min3A_78, %max3A_77 : vector<4x2000xf32>
    %get3A_80 = arith.constant 0 : index
    %get3A_81 = arith.constant 0 : index
    %get3A_82 = vector.load %arg8[%get3A_80, %get3A_81] : memref<4x2000xf32, #tpu.memory_space<vmem>>, vector<4x2000xf32>
    %logistic3A = arith.negf %get3A_82 : vector<4x2000xf32>
    %logistic3A_83 = math.exp %logistic3A : vector<4x2000xf32>
    %logistic3A_84 = arith.constant 1.000000e+00 : f32
    %logistic3A_85 = vector.broadcast %logistic3A_84 : f32 to vector<4x2000xf32>
    %logistic3A_86 = arith.addf %logistic3A_85, %logistic3A_83 : vector<4x2000xf32>
    %logistic3A_87 = arith.divf %logistic3A_85, %logistic3A_86 : vector<4x2000xf32>
    %sub3A_88 = arith.subf %min3A_69, %min3A_49 : vector<4x2000xf32>
    %ge3A = arith.constant 1.000000e+00 : f32
    %ge3A_89 = vector.broadcast %ge3A : f32 to vector<4x2000xf32>
    %ge3A_90 = arith.cmpf oge, %sub3A_88, %ge3A_89 : vector<4x2000xf32>
    %sub3A_91 = arith.subf %min3A_79, %min3A_59 : vector<4x2000xf32>
    %ge3A_92 = arith.constant 1.000000e+00 : f32
    %ge3A_93 = vector.broadcast %ge3A_92 : f32 to vector<4x2000xf32>
    %ge3A_94 = arith.cmpf oge, %sub3A_91, %ge3A_93 : vector<4x2000xf32>
    %and3A = arith.andi %ge3A_90, %ge3A_94 : vector<4x2000xi1>
    %gt3A = arith.constant 0.000000e+00 : f32
    %gt3A_95 = vector.broadcast %gt3A : f32 to vector<4x2000xf32>
    %gt3A_96 = arith.cmpf ogt, %logistic3A_87, %gt3A_95 : vector<4x2000xf32>
    %and3A_97 = arith.andi %and3A, %gt3A_96 : vector<4x2000xi1>
    %swap3A = arith.constant 0 : index
    %swap3A_98 = arith.constant 0 : index
    %swap3A_99 = vector.load %arg9[%swap3A, %swap3A_98] : memref<4x2000xf32, #tpu.memory_space<vmem>>, vector<4x2000xf32>
    tpu.vector_store %arg9[%swap3A, %swap3A_98], %min3A_49 {strides = array<i32>} : memref<4x2000xf32, #tpu.memory_space<vmem>>, vector<4x2000xf32>,
    %swap3A_100 = arith.constant 0 : index
    %swap3A_101 = arith.constant 0 : index
    %swap3A_102 = vector.load %arg10[%swap3A_100, %swap3A_101] : memref<4x2000xf32, #tpu.memory_space<vmem>>, vector<4x2000xf32>
    tpu.vector_store %arg10[%swap3A_100, %swap3A_101], %min3A_59 {strides = array<i32>} : memref<4x2000xf32, #tpu.memory_space<vmem>>, vector<4x2000xf32>,
    %swap3A_103 = arith.constant 0 : index
    %swap3A_104 = arith.constant 0 : index
    %swap3A_105 = vector.load %arg11[%swap3A_103, %swap3A_104] : memref<4x2000xf32, #tpu.memory_space<vmem>>, vector<4x2000xf32>
    tpu.vector_store %arg11[%swap3A_103, %swap3A_104], %min3A_69 {strides = array<i32>} : memref<4x2000xf32, #tpu.memory_space<vmem>>, vector<4x2000xf32>,
    %swap3A_106 = arith.constant 0 : index
    %swap3A_107 = arith.constant 0 : index
    %swap3A_108 = vector.load %arg12[%swap3A_106, %swap3A_107] : memref<4x2000xf32, #tpu.memory_space<vmem>>, vector<4x2000xf32>
    tpu.vector_store %arg12[%swap3A_106, %swap3A_107], %min3A_79 {strides = array<i32>} : memref<4x2000xf32, #tpu.memory_space<vmem>>, vector<4x2000xf32>,
    %jit3A_109 = arith.constant -1.000000e+00 : f32
    %broadcast_in_dim3A = vector.broadcast %jit3A_109 : f32 to vector<4x2000xf32>
    %select_n3A = arith.select %and3A_97, %logistic3A_87, %broadcast_in_dim3A : vector<4x2000xi1>, vector<4x2000xf32>
    %swap3A_110 = arith.constant 0 : index
    %swap3A_111 = arith.constant 0 : index
    %swap3A_112 = vector.load %arg13[%swap3A_110, %swap3A_111] : memref<4x2000xf32, #tpu.memory_space<vmem>>, vector<4x2000xf32>
    tpu.vector_store %arg13[%swap3A_110, %swap3A_111], %select_n3A {strides = array<i32>} : memref<4x2000xf32, #tpu.memory_space<vmem>>, vector<4x2000xf32>,
    return
  }
}

module attributes {stable_mosaic.version = 14 : i64} {
  func.func @_nms_kernel(%arg0: memref<4x2000xf32, #tpu.memory_space<vmem>>, %arg1: memref<4x2000xf32, #tpu.memory_space<vmem>>, %arg2: memref<4x2000xf32, #tpu.memory_space<vmem>>, %arg3: memref<4x2000xf32, #tpu.memory_space<vmem>>, %arg4: memref<4x2000xf32, #tpu.memory_space<vmem>>, %arg5: memref<4x2000xf32, #tpu.memory_space<vmem>>) attributes {dimension_semantics = [], scalar_prefetch = 0 : i64, scratch_operands = 0 : i64, tpu.core_type = #tpu.core_type<tc>} {
    %get3A = arith.constant 0 : index
    %get3A_0 = arith.constant 0 : index
    %get3A_1 = vector.load %arg0[%get3A, %get3A_0] : memref<4x2000xf32, #tpu.memory_space<vmem>>, vector<4x2000xf32>
    %get3A_2 = arith.constant 0 : index
    %get3A_3 = arith.constant 0 : index
    %get3A_4 = vector.load %arg1[%get3A_2, %get3A_3] : memref<4x2000xf32, #tpu.memory_space<vmem>>, vector<4x2000xf32>
    %get3A_5 = arith.constant 0 : index
    %get3A_6 = arith.constant 0 : index
    %get3A_7 = vector.load %arg2[%get3A_5, %get3A_6] : memref<4x2000xf32, #tpu.memory_space<vmem>>, vector<4x2000xf32>
    %get3A_8 = arith.constant 0 : index
    %get3A_9 = arith.constant 0 : index
    %get3A_10 = vector.load %arg3[%get3A_8, %get3A_9] : memref<4x2000xf32, #tpu.memory_space<vmem>>, vector<4x2000xf32>
    %sub3A = arith.subf %get3A_7, %get3A_1 : vector<4x2000xf32>
    %sub3A_11 = arith.subf %get3A_10, %get3A_4 : vector<4x2000xf32>
    %mul3A = arith.mulf %sub3A, %sub3A_11 : vector<4x2000xf32>
    %iota3A = tpu.iota {dimensions = array<i32: 1>} : vector<4x2000xi32>
    %concatenate3A = tpu.concatenate %get3A_1, %get3A_4, %get3A_7, %get3A_10, %mul3A in 0 : vector<4x2000xf32>, vector<4x2000xf32>, vector<4x2000xf32>, vector<4x2000xf32>, vector<4x2000xf32> -> vector<20x2000xf32>
    %iota3A_12 = tpu.iota {dimensions = array<i32: 1>} : vector<20x2000xi32>
    %broadcast_in_dim3A = arith.constant 1.000000e+00 : f32
    %broadcast_in_dim3A_13 = vector.broadcast %broadcast_in_dim3A : f32 to vector<4x2000xf32>
    %scan3A = arith.constant 0 : i32
    %scan3A_14 = arith.constant 2000 : i32
    %scan3A_15 = arith.addi %scan3A, %scan3A_14 : i32
    %scan3A_16 = arith.constant 1 : i32
    %scan3A_17 = scf.for %scan3A_27 = %scan3A to %scan3A_15 step %scan3A_16 iter_args(%scan3A_28 = %broadcast_in_dim3A_13) -> (vector<4x2000xf32>)  : i32 {
      %eq3A = vector.broadcast %scan3A_27 : i32 to vector<20x2000xi32>
      %eq3A_29 = arith.cmpi eq, %iota3A_12, %eq3A : vector<20x2000xi32>
      %jit3A_30 = arith.constant 0.000000e+00 : f32
      %broadcast_in_dim3A_31 = vector.broadcast %jit3A_30 : f32 to vector<20x2000xf32>
      %select_n3A_32 = arith.select %eq3A_29, %concatenate3A, %broadcast_in_dim3A_31 : vector<20x2000xi1>, vector<20x2000xf32>
      %reduce_sum3A = arith.constant dense<0.000000e+00> : vector<20xf32>
      %reduce_sum3A_33 = vector.multi_reduction <add>, %select_n3A_32, %reduce_sum3A [1] : vector<20x2000xf32> to vector<20xf32>
      %broadcast_in_dim3A_34 = vector.shape_cast %reduce_sum3A_33 : vector<20xf32> to vector<20x1xf32>
      %slice3A = vector.extract_strided_slice %broadcast_in_dim3A_34 {offsets = [0, 0], sizes = [4, 1], strides = [1, 1]} : vector<20x1xf32> to vector<4x1xf32>
      %slice3A_35 = vector.extract_strided_slice %broadcast_in_dim3A_34 {offsets = [4, 0], sizes = [4, 1], strides = [1, 1]} : vector<20x1xf32> to vector<4x1xf32>
      %slice3A_36 = vector.extract_strided_slice %broadcast_in_dim3A_34 {offsets = [8, 0], sizes = [4, 1], strides = [1, 1]} : vector<20x1xf32> to vector<4x1xf32>
      %slice3A_37 = vector.extract_strided_slice %broadcast_in_dim3A_34 {offsets = [12, 0], sizes = [4, 1], strides = [1, 1]} : vector<20x1xf32> to vector<4x1xf32>
      %slice3A_38 = vector.extract_strided_slice %broadcast_in_dim3A_34 {offsets = [16, 0], sizes = [4, 1], strides = [1, 1]} : vector<20x1xf32> to vector<4x1xf32>
      %eq3A_39 = vector.broadcast %scan3A_27 : i32 to vector<4x2000xi32>
      %eq3A_40 = arith.cmpi eq, %iota3A, %eq3A_39 : vector<4x2000xi32>
      %jit3A_41 = arith.constant 0.000000e+00 : f32
      %broadcast_in_dim3A_42 = vector.broadcast %jit3A_41 : f32 to vector<4x2000xf32>
      %select_n3A_43 = arith.select %eq3A_40, %scan3A_28, %broadcast_in_dim3A_42 : vector<4x2000xi1>, vector<4x2000xf32>
      %reduce_sum3A_44 = arith.constant dense<0.000000e+00> : vector<4xf32>
      %reduce_sum3A_45 = vector.multi_reduction <add>, %select_n3A_43, %reduce_sum3A_44 [1] : vector<4x2000xf32> to vector<4xf32>
      %broadcast_in_dim3A_46 = vector.shape_cast %reduce_sum3A_45 : vector<4xf32> to vector<4x1xf32>
      %min3A = vector.broadcast %slice3A_36 : vector<4x1xf32> to vector<4x2000xf32>
      %min3A_47 = arith.minimumf %get3A_7, %min3A : vector<4x2000xf32>
      %max3A = vector.broadcast %slice3A : vector<4x1xf32> to vector<4x2000xf32>
      %max3A_48 = arith.maximumf %get3A_1, %max3A : vector<4x2000xf32>
      %sub3A_49 = arith.subf %min3A_47, %max3A_48 : vector<4x2000xf32>
      %jit3A_50 = arith.constant 0.000000e+00 : f32
      %max3A_51 = vector.broadcast %jit3A_50 : f32 to vector<4x2000xf32>
      %max3A_52 = arith.maximumf %max3A_51, %sub3A_49 : vector<4x2000xf32>
      %min3A_53 = vector.broadcast %slice3A_37 : vector<4x1xf32> to vector<4x2000xf32>
      %min3A_54 = arith.minimumf %get3A_10, %min3A_53 : vector<4x2000xf32>
      %max3A_55 = vector.broadcast %slice3A_35 : vector<4x1xf32> to vector<4x2000xf32>
      %max3A_56 = arith.maximumf %get3A_4, %max3A_55 : vector<4x2000xf32>
      %sub3A_57 = arith.subf %min3A_54, %max3A_56 : vector<4x2000xf32>
      %jit3A_58 = arith.constant 0.000000e+00 : f32
      %max3A_59 = vector.broadcast %jit3A_58 : f32 to vector<4x2000xf32>
      %max3A_60 = arith.maximumf %max3A_59, %sub3A_57 : vector<4x2000xf32>
      %mul3A_61 = arith.mulf %max3A_52, %max3A_60 : vector<4x2000xf32>
      %add3A = vector.broadcast %slice3A_38 : vector<4x1xf32> to vector<4x2000xf32>
      %add3A_62 = arith.addf %mul3A, %add3A : vector<4x2000xf32>
      %sub3A_63 = arith.subf %add3A_62, %mul3A_61 : vector<4x2000xf32>
      %add3A_64 = arith.constant 9.99999971E-10 : f32
      %add3A_65 = vector.broadcast %add3A_64 : f32 to vector<4x2000xf32>
      %add3A_66 = arith.addf %sub3A_63, %add3A_65 : vector<4x2000xf32>
      %div3A = arith.divf %mul3A_61, %add3A_66 : vector<4x2000xf32>
      %gt3A_67 = arith.constant 0.699999988 : f32
      %gt3A_68 = vector.broadcast %gt3A_67 : f32 to vector<4x2000xf32>
      %gt3A_69 = arith.cmpf ogt, %div3A, %gt3A_68 : vector<4x2000xf32>
      %gt3A_70 = arith.constant 5.000000e-01 : f32
      %gt3A_71 = vector.broadcast %gt3A_70 : f32 to vector<4x1xf32>
      %gt3A_72 = arith.cmpf ogt, %broadcast_in_dim3A_46, %gt3A_71 : vector<4x1xf32>
      %and3A = vector.broadcast %gt3A_72 : vector<4x1xi1> to vector<4x2000xi1>
      %and3A_73 = arith.andi %gt3A_69, %and3A : vector<4x2000xi1>
      %gt3A_74 = vector.broadcast %scan3A_27 : i32 to vector<4x2000xi32>
      %gt3A_75 = arith.cmpi sgt, %iota3A, %gt3A_74 : vector<4x2000xi32>
      %and3A_76 = arith.andi %and3A_73, %gt3A_75 : vector<4x2000xi1>
      %jit3A_77 = arith.constant 0.000000e+00 : f32
      %broadcast_in_dim3A_78 = vector.broadcast %jit3A_77 : f32 to vector<4x2000xf32>
      %select_n3A_79 = arith.select %and3A_76, %broadcast_in_dim3A_78, %scan3A_28 : vector<4x2000xi1>, vector<4x2000xf32>
      scf.yield %select_n3A_79 : vector<4x2000xf32>
    }
    %scan3A_18 = arith.constant 2000 : i32
    %gt3A = arith.constant 5.000000e-01 : f32
    %gt3A_19 = vector.broadcast %gt3A : f32 to vector<4x2000xf32>
    %gt3A_20 = arith.cmpf ogt, %scan3A_17, %gt3A_19 : vector<4x2000xf32>
    %get3A_21 = arith.constant 0 : index
    %get3A_22 = arith.constant 0 : index
    %get3A_23 = vector.load %arg4[%get3A_21, %get3A_22] : memref<4x2000xf32, #tpu.memory_space<vmem>>, vector<4x2000xf32>
    %jit3A = arith.constant -1.000000e+00 : f32
    %broadcast_in_dim3A_24 = vector.broadcast %jit3A : f32 to vector<4x2000xf32>
    %select_n3A = arith.select %gt3A_20, %get3A_23, %broadcast_in_dim3A_24 : vector<4x2000xi1>, vector<4x2000xf32>
    %swap3A = arith.constant 0 : index
    %swap3A_25 = arith.constant 0 : index
    %swap3A_26 = vector.load %arg5[%swap3A, %swap3A_25] : memref<4x2000xf32, #tpu.memory_space<vmem>>, vector<4x2000xf32>
    tpu.vector_store %arg5[%swap3A, %swap3A_25], %select_n3A {strides = array<i32>} : memref<4x2000xf32, #tpu.memory_space<vmem>>, vector<4x2000xf32>,
    return
  }
}

</mosaic_0001>

<sc_bundles>
// kernel: gather_offload_async_start.1
scs
__scs_entry_jumppad:
0x0: {  	(pc) =	sbr.rel $0x88, $3  }
0x1: {  	(tag) =	ssettag $0x0;
	lr =	simm.s32 $0x1  }
0x2: {  	[smem:$0x3F9E] =	sst lr;
	_ =	strace $0xD0000000  }
0x3: {  	_ = 	snop  }
0x4: {  	_ = 	snop  }
0x5: {  	_ = 	snop  }
0x6: {  	_ = 	snop  }
0x7: {  	_ = 	snop  }
__scs_overlays_trampoline_lowered:
0x8: {  	[smem:$0x3FAD] =	sst s0  }
0x9: {  	[smem:$0x3FAE] =	sst s1  }
0xa: {  	[smem:$0x3FAF] =	sst s2  }
0xb: {  	[smem:$0x3FB0] =	sst s3  }
0xc: {  	[smem:$0x3FB1] =	sst s4  }
0xd: {  	[smem:$0x3FB2] =	sst s5  }
0xe: {  	[smem:$0x3FB3] =	sst s6  }
0xf: {  	[smem:$0x3FB4] =	sst s7  }
0x10: {  	[smem:$0x3FB5] =	sst s8  }
0x11: {  	[smem:$0x3FB6] =	sst s9;
	s0 =	simm.s32 @!p0 $0x0  }
0x12: {  	s1 =	sld [smem:$0x3F9C];
	s0 =	simm.s32 @p0 $0x1  }
0x13: {  	[smem:$0x3FB7] =	sst s0;
	s0 =	simm.s32 @!p1 $0x0  }
0x14: {  	s2 =	sld [smem:$0x3F9B];
	s0 =	simm.s32 @p1 $0x1  }
0x15: {  	[smem:$0x3FB8] =	sst s0;
	s0 =	simm.s32 @!p2 $0x0  }
0x16: {  	s3 =	sld [smem:$0x3FDB];
	s0 =	simm.s32 @p2 $0x1  }
0x17: {  	s4 =	simm.s32 $0x1BF5;
	[smem:$0x3FBA] =	sst s0  }
0x18: {  	s0 =	sld [smem:$0x3F9D];
	_ =	swait.ge [sflag:s4], $0x0  }
0x19: {  	s7 =	sld [smem:$0x3F9E]  }
0x1a: {  	s8 =	sadd.s32 $0xFFFFE003, lr  }
0x1b: {  	s9 =	sadd.s32 $0xFFFFFEF7, lr;
	s5 =	simm.s32 $0xFFFFFFFF;
	p2 =	slt.u32 s8, $0xFFFFF086  }
0x1c: {  	p1 =	slt.u32 s9, $0xF7A;
	s5 =	simm.s32 @!p2 $0x0  }
0x1d: {  	s5 =	simm.s32 @p1 $0x1;
	p0 =	seq.s32 s7, s2  }
0x1e: {  	s7 =	smul.u32 @!p0 $0xF7A, s2;
	p2 =	seq.s32 @!p0 s5, $0x0  }
0x1f: {  	s9 =	smul.u32 $0xF7A, s1;
	s8 =	simm.s32 @!p0 $0x1BF5;
	p2 =	por !p2, p0  }
0x20: {  	[sflag:s8] =	ssyncset.s32 @!p0 $0xFFFFF086;
	s6 =	sadd.s32 @!p0 s3, s7;
	s7 =	simm.s32 @!p0 $0x108  }
0x21: {  	s3 =	sadd.s32 s3, s9;
	s6 =	sadd.s32 @!p0 $0x88, s6;
	s7 =	simm.s32 @p2 $0x1082  }
0x22: {  	[simem:s7], [sflag:s8] =	dma.local @!p0 [hbm:s6], $0xF7A  }
0x23: {  	s9 =	sor.u32 $0xD0000000, s2;
	s6 =	simm.s32 $0x108;
	_ =	swait.ge @!p0 [sflag:s8], $0x0  }
0x24: {  	s3 =	sadd.s32 $0x88, s3;
	s6 =	simm.s32 @!p1 $0x1082;
	[sflag:s4] =	ssyncset.s32 $0xFFFFF086  }
0x25: {  	[simem:s6], [sflag:s4] =	dma.local [hbm:s3], $0xF7A  }
0x26: {  	[smem:$0x3F9E] =	sst s1;
	(tag) =	ssettag s2;
	_ =	strace s9  }
0x27: {  	s1 =	sld [smem:$0x3FAE]  }
0x28: {  	s2 =	sld [smem:$0x3FAF]  }
0x29: {  	s4 =	sld [smem:$0x3FB1]  }
0x2a: {  	p0 =	seq.s32 s5, $0x0;
	s5 =	sld [smem:$0x3FB2]  }
0x2b: {  	s6 =	sld [smem:$0x3FB3]  }
0x2c: {  	s7 =	sld [smem:$0x3FB4]  }
0x2d: {  	s3 =	simm.s32 $0x108;
	s8 =	sld [smem:$0x3FB5]  }
0x2e: {  	s3 =	simm.s32 @!p0 $0x1082;
	s9 =	sld [smem:$0x3FB6]  }
0x2f: {  	lr =	sadd.s32 s0, s3;
	s0 =	sld [smem:$0x3FAD]  }
0x30: {  	s3 =	sld [smem:$0x3FB0]  }
0x31: {  	[smem:$0x3FB9] =	sst s10  }
0x32: {  	s10 =	sld [smem:$0x3FB7];
	_ =	sdelay $0x3  }
0x33: {  	p0 =	seq.s32 s10, $0x1;
	s10 =	sld [smem:$0x3FB9];
	_ =	sdelay $0x3  }
0x34: {  	[smem:$0x3FB9] =	sst s10  }
0x35: {  	s10 =	sld [smem:$0x3FB8];
	_ =	sdelay $0x3  }
0x36: {  	p1 =	seq.s32 s10, $0x1;
	s10 =	sld [smem:$0x3FB9];
	_ =	sdelay $0x3  }
0x37: {  	[smem:$0x3FB9] =	sst s10  }
0x38: {  	s10 =	sld [smem:$0x3FBA]  }
0x39: {  	_ = 	snop;
	(pc) =	sbr.ind lr, $3  }
0x3a: {  	_ = 	snop  }
0x3b: {  	_ = 	snop  }
0x3c: {  	p2 =	seq.s32 s10, $0x1;
	s10 =	sld [smem:$0x3FB9]  }
0x3d: {  	_ =	shalt  }
0x3e: {  	_ =	shalt  }
0x3f: {  	_ =	shalt  }
0x40: {  	_ =	shalt  }
0x41: {  	_ =	shalt  }
0x42: {  	_ =	shalt  }
0x43: {  	_ =	shalt  }
0x44: {  	_ =	shalt  }
0x45: {  	_ =	shalt  }
0x46: {  	_ =	shalt  }
0x47: {  	_ =	shalt  }
0x48: {  	_ =	shalt  }
0x49: {  	_ =	shalt  }
0x4a: {  	_ =	shalt  }
0x4b: {  	_ =	shalt  }
0x4c: {  	_ =	shalt  }
0x4d: {  	_ =	shalt  }
0x4e: {  	_ =	shalt  }
0x4f: {  	_ =	shalt  }
0x50: {  	_ =	shalt  }
0x51: {  	_ =	shalt  }
0x52: {  	_ =	shalt  }
0x53: {  	_ =	shalt  }
0x54: {  	_ =	shalt  }
0x55: {  	_ =	shalt  }
0x56: {  	_ =	shalt  }
0x57: {  	_ =	shalt  }
0x58: {  	_ =	shalt  }
0x59: {  	_ =	shalt  }
0x5a: {  	_ =	shalt  }
0x5b: {  	_ =	shalt  }
0x5c: {  	_ =	shalt  }
0x5d: {  	_ =	shalt  }
0x5e: {  	_ =	shalt  }
0x5f: {  	_ =	shalt  }
0x60: {  	_ =	shalt  }
0x61: {  	_ =	shalt  }
0x62: {  	_ =	shalt  }
0x63: {  	_ =	shalt  }
0x64: {  	_ =	shalt  }
0x65: {  	_ =	shalt  }
0x66: {  	_ =	shalt  }
0x67: {  	_ =	shalt  }
0x68: {  	_ =	shalt  }
0x69: {  	_ =	shalt  }
0x6a: {  	_ =	shalt  }
0x6b: {  	_ =	shalt  }
0x6c: {  	_ =	shalt  }
0x6d: {  	_ =	shalt  }
0x6e: {  	_ =	shalt  }
0x6f: {  	_ =	shalt  }
0x70: {  	_ =	shalt  }
0x71: {  	_ =	shalt  }
0x72: {  	_ =	shalt  }
0x73: {  	_ =	shalt  }
0x74: {  	_ =	shalt  }
0x75: {  	_ =	shalt  }
0x76: {  	_ =	shalt  }
0x77: {  	_ =	shalt  }
0x78: {  	_ =	shalt  }
0x79: {  	_ =	shalt  }
0x7a: {  	_ =	shalt  }
0x7b: {  	_ =	shalt  }
0x7c: {  	_ =	shalt  }
0x7d: {  	_ =	shalt  }
0x7e: {  	_ =	shalt  }
0x7f: {  	_ =	shalt  }
0x80: {  	_ =	shalt  }
0x81: {  	_ =	shalt  }
0x82: {  	_ =	shalt  }
0x83: {  	_ =	shalt  }
0x84: {  	_ =	shalt  }
0x85: {  	_ =	shalt  }
0x86: {  	_ =	shalt  }
0x87: {  	_ =	shalt  }
.Lfunc_end0:
.L_simem_size_0:
called_computation.1_lowered:
.L_overlay_start_0:
0x88: {  	s2 =	sld [smem:$0x3FD9]  }
0x89: {  	s3 =	sld [smem:$0x3FFE];
	_ =	sdelay $0x1  }
0x8a: {  	s1 =	srdreg.scid  }
0x8b: {  	s0 =	sand.u32 $0x1, s1  }
0x8c: {  	s17 =	sshll.u32 s0, $0xA;
	s2 =	sadd.s32 s3, s2  }
0x8d: {  	s2 =	sadd.s32 s2, s17  }
0x8e: {  	[smem:$0x3FC5] =	sst s2  }
0x8f: {  	_ = 	snop  }
0x90: {  	s18 =	sld [smem:$0x3FD0];
	(tm) =	ssettm $0x1  }
0x91: {  	s19 =	sld [smem:$0x3FFB];
	_ =	sdelay $0x3  }
0x92: {  	_ =	strace s19  }
0x93: {  	s2 =	sld [smem:$0x3FFC];
	_ =	sdelay $0x3  }
0x94: {  	_ =	strace s2  }
0x95: {  	s2 =	sld [smem:$0x3FFD];
	_ =	sdelay $0x3  }
0x96: {  	_ =	strace s2  }
0x97: {  	_ =	strace $0x8FFFFFFF  }
0x98: {  	s20 =	sld [smem:$0x3FDB];
	_ =	sdelay $0x1  }
0x99: {  	s4 =	simm.s32 $_scs_section_size  }
0x9a: {  	s5 =	simm.s32 $_size__tile_overlayer_lowered;
	s6 =	simm.s32 $_tile_overlayer_lowered  }
0x9b: {  	s7 =	simm.s32 $0x1BFF;
	s21 =	sshll.u32 s6, $0x1;
	s4 =	sadd.s32 s4, s20  }
0x9c: {  	s22 =	simm.s32 $0x0;
	s5 =	sshll.u32 s5, $0x1;
	s6 =	sadd.s32 s21, s4  }
0x9d: {  	[timem:s22], [sflag:s7] =	dma.local [hbm:s6], s5  }
0x9e: {  	_ =	swait.ge [sflag:s7], s5  }
0x9f: {  	s5 =	ssub.s32 $0x0, s5;
	[sflag:s7] =	ssyncset.done $0x0  }
0xa0: {  	[sflag:s7] =	ssyncadd.s32 s5;
	_ =	sdelay $0x1  }
0xa1: {  	s23 =	simm.s32 $0x1B8B  }
0xa2: {  	_ =	swait.ge [sflag:s23], $0x1  }
0xa3: {  	[sflag:s23] =	ssyncset.done $0x0  }
0xa4: {  	[sflag:s23] =	ssyncadd.s32 $0xFFFFFFFF  }
0xa5: {  	s5 =	sld [smem:$0x0]  }
0xa6: {  	s6 =	sand.u32 $0xFFFFFFFE, s1  }
0xa7: {  	p0 =	sne.s32 s1, s6  }
0xa8: {  	s6 =	sshll.u32 @p0 s6, $0xE  }
0xa9: {  	s6 =	sadd.s32 @p0 $0x11B8D, s6;
	s7 =	sshll.u32 @p0 s5, $0x11  }
0xaa: {  	s6 =	sor.u32 @p0 s7, s6  }
0xab: {  	[sflag:s6] =	ssyncadd.remote.s32 @p0 $0x1;
	_ =	sdelay $0x1  }
0xac: {  	s6 =	simm.s32 @p0 $0x1B8D  }
0xad: {  	_ =	swait.eq @p0 [sflag:s6], $0x1  }
0xae: {  	[sflag:s6] =	ssyncadd.s32 @p0 $0xFFFFFFFF  }
0xaf: {  	s7 =	sshll.u32 @!p0 s1, $0xE  }
0xb0: {  	s7 =	sor.u32 @!p0 $0x4000, s7;
	s6 =	simm.s32 @!p0 $0x1B8D  }
0xb1: {  	s5 =	sshll.u32 @!p0 s5, $0x11;
	s7 =	sadd.s32 @!p0 $0x11B8D, s7;
	_ =	swait.eq @!p0 [sflag:s6], $0x1  }
0xb2: {  	s5 =	sor.u32 @!p0 s5, s7;
	[sflag:s6] =	ssyncadd.s32 @!p0 $0xFFFFFFFF  }
0xb3: {  	s25 =	simm.s32 $0x1B8E;
	s24 =	sld [smem:$0x3FFE];
	[sflag:s5] =	ssyncadd.remote.s32 @!p0 $0x1  }
0xb4: {  	s26 =	simm.s32 $execute0_lowered;
	[smem:$0x3FD2] =	sst s25  }
0xb5: {  	s6 =	sshll.u32 s26, $0x1;
	_ =	strace $0x80000049;
	[dreg:$0x1] =	wrdreg $0xFFFFFFFF  }
0xb6: {  	s28 =	simm.s32 $_size_execute0_lowered;
	s4 =	sadd.s32 s4, s6;
	[dreg:$0x0] =	wrdreg $0x0  }
0xb7: {  	s6 =	sshll.u32 s28, $0x1;
	[dreg:$0x2] =	wrdreg s4  }
0xb8: {  	[dreg:$0x3] =	wrdreg s6  }
0xb9: {  	[dreg:$0x4] =	wrdreg $0xC0  }
0xba: {  	_ =	task [dreg:s22], $0x5FFFF  }
0xbb: {  	[dreg:$0x1] =	wrdreg $0xFFFFFFFF  }
0xbc: {  	[dreg:$0x0] =	wrdreg $0x60  }
0xbd: {  	[dreg:$0x2] =	wrdreg s24  }
0xbe: {  	[dreg:$0x3] =	wrdreg s18  }
0xbf: {  	[dreg:$0x4] =	wrdreg $0xA  }
0xc0: {  	_ =	task.clear_ibuf [dreg:s22], $0x5FFFF;
	_ =	strace $0x90000049  }
0xc1: {  	s29 =	simm.s32 $0xA;
	_ =	strace $0x8000004B  }
0xc2: {  	_ =	swait.ge [sflag:s29], $0x1  }
0xc3: {  	[sflag:s29] =	ssyncadd.s32 $0xFFFFFFFF  }
0xc4: {  	_ =	strace $0x9000004B  }
0xc5: {  	_ =	sfence  }
0xc6: {  	s30 =	sld [smem:$0x0];
	_ =	sdelay $0x2  }
0xc7: {  	s31 =	sshll.u32 s1, $0xD;
	s1 =	sshrl.u32 s1, $0x2  }
0xc8: {  	s4 =	sand.u32 $0x4000, s31;
	s1 =	sadd.s32 s1, s30  }
0xc9: {  	s0 =	sor.u32 s4, s0;
	s1 =	sshll.u32 s1, $0x11  }
0xca: {  	s0 =	sor.u32 s1, s0  }
0xcb: {  	s0 =	sadd.s32 $0x8F2B, s0  }
0xcc: {  	[sflag:s0] =	ssyncadd.remote.s32 $0x1  }
0xcd: {  	_ =	sfence.sel $0xFFFF  }
0xce: {  	[dreg:$0x0] =	wrdreg $0xFFFFFFFF;
	(pc) =	sbr.abs _section_cstart, $3  }
0xcf: {  	[dreg:$0x1] =	wrdreg $0xFFFFFFFF  }
0xd0: {  	_ =	task.clear_ibuf [dreg:s22], $0x2FFFF;
	_ =	strace $0x9FFFFFFF  }
0xd1: {  	(tm) =	ssettm $0x7FFFFFFF  }
tec
execute0_lowered:
.L_overlay_start_1:
0x0: {  	(tag) =	ssettag $0x1  }
0x1: {  	s0 =	srdreg.scid  }
0x2: {  	s1 =	sshll.u32 s0, $0x4  }
0x3: {  	s0 =	stileid.u32;
	s1 =	sand.u32 $0x10, s1  }
0x4: {  	s2 =	sor.u32 s0, s1  }
0x5: {  	s1 =	smin.u32 s2, $0x12  }
0x6: {  	s1 =	sadd.s32 s2, s1  }
0x7: {  	p0 =	slt.u32 s2, $0x12;
	s2 =	simm.s32 $0x140;
	s1 =	smul.u32 $0xA0, s1  }
0x8: {  	s2 =	simm.s32 @!p0 $0xA0  }
0x9: {  	s2 =	sadd.s32 s2, s1  }
0xa: {  	s3 =	smin.u32 s2, $0x1F40  }
0xb: {  	s7 =	ssub.s32 s3, s1  }
0xc: {  	p0 =	sgt.s32 s7, $0x0  }
0xd: {  	s7 =	simm.s32 @!p0 $0x0  }
0xe: {  	s9 =	rddreg [dreg:$0x0];
	s31 =	smul.u32 $0xCCCD, s7  }
0xf: {  	s4 =	rddreg [dreg:$0x1];
	s6 =	simm.s32 $0x1  }
0x10: {  	s11 =	simm.s32 $0x3;
	s13 =	simm.s32 $0x0;
	s8 =	sshrl.u32 s31, $0x17  }
0x11: {  	s12 =	simm.s32 $0x0;
	s5 =	sadd.s32 $0x6DA00, s9;
	s10 =	smul.u32 $0xA0, s8  }
.Ltmp0:
0x12: {  	s9 =	sadd.s32 $0x1A6200, s9;
	s2 =	rddreg [dreg:$0x2];
	(pc) =	sbr.rel .LBB2_1-.Ltmp0, $4  }
0x13: {  	_ =	strace $0x8000004A;
	p0 =	sne.s32 s7, s10;
	s10 =	simm.s32 $0x1  }
0x14: {  	[sflag:s6] =	ssyncpa.u1 $0x0;
	s7 =	simm.s32 $0x2;
	s10 =	simm.s32 @!p0 $0x0  }
0x15: {  	[sflag:s7] =	ssyncpa.u1 $0x0;
	p0 =	por $0x0, $0x0;
	s8 =	sadd.s32 s8, s10  }
0x16: {  	vm0 =	vmmov $0xff;
	vm1 =	vcmask $0x3F20;
	[sflag:s11] =	ssyncpa.u1 $0x0;
	s11 =	smov.u32 s1;
	s10 =	sadd.s32 $0x1, s8  }
.LBB2_6:
0x17: {  	[hbm:s17] =	stream.linear.scatter [tilespmem:s14], [sflag:$0x3], $0x400, $0x38;
	[tilespmem:$0xA140] =	vst v63  }
.LBB2_7:
0x18: {  	s13 =	sadd.s32 $0xA0, s11  }
0x19: {  	s15 =	smov.u32 s1;
	p2 =	slt.s32 s13, s3  }
0x1a: {  	s15 =	smov.u32 @p2 s13;
	p2 =	sne.s32 s12, s10  }
.Ltmp1:
0x1b: {  	p1 =	slt.u32 s12, $0x2;
	(pc) =	sbr.rel @!p2 .LBB2_8-.Ltmp1, $4  }
0x1c: {  	s14 =	simm.s32 @!p1 $0x3  }
0x1d: {  	s16 =	sadd.s32 $0x1, s12;
	_ =	swait.ge @!p1 [sflag:s14], $0x5000  }
0x1e: {  	p0 =	por !p0, !p0;
	s13 =	smov.u32 s11;
	[sflag:s14] =	ssyncset.done @!p1 $0x0  }
0x1f: {  	s12 =	smov.u32 s16;
	s11 =	smov.u32 s15;
	[sflag:s14] =	ssyncadd.s32 @!p1 $0xFFFFB000  }
.LBB2_1:
0x20: {  	p1 =	sge.u32 s12, s8  }
0x21: {  	s14 =	sxor.u32 @!p1 $0xFFFFFFFF, s12  }
0x22: {  	s14 =	sand.u32 @!p1 $0x1, s14  }
0x23: {  	s14 =	smul.u32 @!p1 $0x280, s14  }
0x24: {  	s31 =	sadd.s32 $0xFFFFFFFF, s12;
	s15 =	sshrl.u32 @!p1 s11, $0x3  }
0x25: {  	s16 =	sand.u32 @!p1 $0x7, s11;
	s15 =	sadd.s32 @!p1 s4, s15;
	s14 =	sshrl.u32 @!p1 s14, $0x2  }
0x26: {  	[tilespmem:s14], [sflag:$0x2] =	stream.linear.gather @!p1 [hbm4b:s15+s16], $0xA0, $0x38;
	[tilespmem:$0xA140] =	vst v63  }
0x27: {  	p1 =	sge.u32 s31, s8  }
.Ltmp2:
0x28: {  	_ = 	snop;
	(pc) =	sbr.rel @p1 .LBB2_7-.Ltmp2, $1  }
0x29: {  	_ =	sdelay $0x3  }
0x2a: {  	s14 =	simm.s32 $0x1  }
0x2b: {  	s14 =	simm.s32 @!p0 $0x0  }
0x2c: {  	s15 =	smul.u32 $0x280, s14  }
0x2d: {  	_ =	swait.ge [sflag:s7], $0xA0  }
0x2e: {  	[sflag:s7] =	ssyncset.done $0x0;
	s16 =	sshrl.u32 s15, $0x2  }
0x2f: {  	[sflag:s7] =	ssyncadd.s32 $0xFFFFFF60;
	s15 =	sadd.s32 $0x0, s16  }
0x30: {  	v0 =	vld.msk [tilespmem:s15+$0x0 ss:$0x1], $0xffff;
	_ =	sdelay $0x4  }
0x31: {  	v1 =	vand.u32 $0x3, v0;
	v2 =	vshll.u32 v0, $0x5  }
0x32: {  	vm2 =	veq.s32 v0, $0x80000000;
	v0 =	vmul.u32 $0x271000, v1;
	v1 =	vand.u32 $0x3FFF80, v2  }
0x33: {  	v1 =	vsel vm2, $0xFFFFFF80, v1  }
0x34: {  	v0 =	vsel vm2, $0xFFD8F000, v0;
	v2 =	vand.u32 $0xFFFFFC00, v1  }
0x35: {  	v1 =	vand.u32 $0x380, v1;
	v0 =	vadd.s32 v0, v2  }
0x36: {  	v0 =	vor.u32 v1, v0  }
0x37: {  	v0 =	vshrl.u32 v0, $0x3  }
0x38: {  	s14 =	smul.u32 $0x14000, s14;
	_ =	sdelay $0x1  }
0x39: {  	s14 =	sshrl.u32 s14, $0x2  }
0x3a: {  	s14 =	sor.u32 $0x140, s14  }
0x3b: {  	[tilespmem:s14], [sflag:$0x1] =	stream.indirect_vreg.gather [hbm:s5], $0x80, v0, vm0, $0x38;
	[tilespmem:$0xA140] =	vst v63  }
0x3c: {  	s17 =	sadd.s32 $0x10, s16;
	s15 =	sadd.s32 $0x400, s14  }
0x3d: {  	[tilespmem:s15], [sflag:$0x1] =	stream.indirect_vreg.gather [hbm:s5], $0x80, v0, vm1, $0x38;
	[tilespmem:$0xA140] =	vst v63  }
0x3e: {  	s18 =	simm.s32 $0x80;
	v0 =	vld.msk [tilespmem:s17+$0x0 ss:$0x1], $0xffff;
	s17 =	smov.u32 s14  }
.LBB2_3:
0x3f: {  	p1 =	sne.s32 s18, $0x240;
	_ =	sdelay $0x4  }
0x40: {  	v1 =	vand.u32 $0x3, v0;
	v2 =	vshll.u32 v0, $0x5  }
0x41: {  	vm2 =	veq.s32 v0, $0x80000000;
	v0 =	vmul.u32 $0x271000, v1;
	v1 =	vand.u32 $0x3FFF80, v2  }
0x42: {  	v1 =	vsel vm2, $0xFFFFFF80, v1  }
0x43: {  	v0 =	vsel vm2, $0xFFD8F000, v0;
	v2 =	vand.u32 $0xFFFFFC00, v1  }
0x44: {  	v1 =	vand.u32 $0x380, v1;
	v0 =	vadd.s32 v0, v2  }
0x45: {  	v0 =	vor.u32 v1, v0  }
0x46: {  	v0 =	vshrl.u32 v0, $0x3;
	_ =	sdelay $0x3  }
.Ltmp3:
0x47: {  	s19 =	sshra.s32 s18, $0x2;
	s17 =	sadd.s32 $0x800, s17;
	(pc) =	sbr.rel @p1 .LBB2_3-.Ltmp3, $4  }
0x48: {  	[tilespmem:s17], [sflag:$0x1] =	stream.indirect_vreg.gather [hbm:s5], $0x80, v0, vm0, $0x38;
	[tilespmem:$0xA140] =	vst v63  }
0x49: {  	s19 =	sadd.s32 s19, s16;
	s20 =	sadd.s32 $0x400, s17  }
0x4a: {  	[tilespmem:s20], [sflag:$0x1] =	stream.indirect_vreg.gather [hbm:s5], $0x80, v0, vm1, $0x38;
	[tilespmem:$0xA140] =	vst v63  }
0x4b: {  	s18 =	sadd.s32 $0x40, s18;
	v0 =	vld.msk [tilespmem:s19+$0x0 ss:$0x1], $0xffff  }
0x4c: {  	_ =	sdelay $0x3  }
0x4d: {  	v1 =	vand.u32 $0x3, v0;
	v2 =	vshll.u32 v0, $0x5  }
0x4e: {  	vm2 =	veq.s32 v0, $0x80000000;
	v61 =	vmul.u32 $0x271000, v1;
	v62 =	vand.u32 $0x3FFF80, v2  }
0x4f: {  	v1 =	vsel vm2, $0xFFFFFF80, v62  }
0x50: {  	v0 =	vsel vm2, $0xFFD8F000, v61;
	v63 =	vand.u32 $0xFFFFFC00, v1  }
0x51: {  	v1 =	vand.u32 $0x380, v1;
	v0 =	vadd.s32 v0, v63  }
0x52: {  	v0 =	vor.u32 v1, v0  }
0x53: {  	v0 =	vshrl.u32 v0, $0x3;
	_ =	sdelay $0x3  }
0x54: {  	s16 =	sadd.s32 $0x800, s17  }
0x55: {  	[tilespmem:s16], [sflag:$0x1] =	stream.indirect_vreg.gather [hbm:s5], $0x80, v0, vm0, $0x38;
	[tilespmem:$0xA140] =	vst v63  }
0x56: {  	s16 =	sadd.s32 $0x400, s16  }
0x57: {  	[tilespmem:s16], [sflag:$0x1] =	stream.indirect_vreg.gather [hbm:s5], $0x80, v0, vm1, $0x38;
	[tilespmem:$0xA140] =	vst v63  }
0x58: {  	s13 =	sshll.u32 s13, $0x4;
	_ =	swait.ge [sflag:s6], $0x5000  }
0x59: {  	s13 =	sadd.s32 s13, s9;
	[sflag:s6] =	ssyncset.done $0x0  }
0x5a: {  	s17 =	sadd.s32 $0x0, s13;
	s16 =	simm.s32 $0x80;
	[sflag:s6] =	ssyncadd.s32 $0xFFFFB000  }
.LBB2_5:
0x5b: {  	[hbm:s17] =	stream.linear.scatter [tilespmem:s14], [sflag:$0x3], $0x400, $0x38;
	[tilespmem:$0xA140] =	vst v63  }
0x5c: {  	s17 =	smov.u32 s16;
	s14 =	smov.u32 s15;
	p1 =	sne.s32 s16, $0x980  }
.Ltmp4:
0x5d: {  	s16 =	sadd.s32 $0x80, s16;
	(pc) =	sbr.rel @p1 .LBB2_5-.Ltmp4, $2  }
0x5e: {  	_ =	sdelay $0x2  }
0x5f: {  	s15 =	sadd.s32 $0x400, s15;
	s17 =	sadd.s32 s17, s13  }
.Ltmp5:
0x60: {  	_ = 	snop;
	(pc) =	sbr.rel .LBB2_6-.Ltmp5, $1  }
0x61: {  	_ =	sdelay $0x3  }
.LBB2_8:
0x62: {  	_ =	sfence.sel $0x180000  }
0x63: {  	s1 =	simm.s32 $0x2;
	[bflag:$0x0] =	sbarrier.arrive $0xFFFF  }
0x64: {  	s30 =	simm.s32 $0x3;
	[sflag:s1] =	ssyncpa.u1 $0x1  }
0x65: {  	s31 =	simm.s32 $0x1;
	[sflag:s30] =	ssyncpa.u1 $0x1  }
0x66: {  	[sflag:s31] =	ssyncpa.u1 $0x1  }
0x67: {  	p0 =	sne.s32 s0, $0x0;
	_ =	strace $0x9000004A  }
0x68: {  	s0 =	sadd.s32 @!p0 $0x100000, s2;
	[bflag:$0x2] =	sbarrier.arrive $0xFFFF  }
0x69: {  	[sflag:s0] =	ssyncadd.tile.s32 @!p0 $0x1;
	_ =	shalt  }
.Lfunc_end2:
_tile_overlayer_lowered:
.L_overlay_start_2:
0x6a: {  	(tag) =	ssettag $0x2  }
0x6b: {  	s0 =	rddreg [dreg:$0x0];
	s2 =	stileid.u32  }
0x6c: {  	s1 =	rddreg [dreg:$0x1];
	p0 =	sne.s32 s2, $0x0  }
0x6d: {  	s3 =	rddreg [dreg:$0x2];
	[bflag:$0x3] =	sbarrier.arrive $0xFFFF;
	s2 =	simm.s32 @!p0 $0x1C01  }
0x6e: {  	[timem:s3], [sflag:s2] =	dma.local @!p0 [hbm:s0], s1  }
0x6f: {  	s0 =	simm.s32 @!p0 $0x1  }
0x70: {  	_ =	swait.ge @!p0 [sflag:s0], s1  }
0x71: {  	s1 =	ssub.s32 @!p0 $0x0, s1;
	[sflag:s0] =	ssyncset.done @!p0 $0x0  }
0x72: {  	[sflag:s0] =	ssyncadd.s32 @!p0 s1  }
0x73: {  	[bflag:$0x3] =	sbarrier.arrive $0xFFFF  }
0x74: {  	_ =	shalt  }

// kernel: gather_offload_async_start.2
scs
__scs_entry_jumppad:
0x0: {  	(pc) =	sbr.rel $0x88, $3  }
0x1: {  	(tag) =	ssettag $0x0;
	lr =	simm.s32 $0x1  }
0x2: {  	[smem:$0x3F9E] =	sst lr;
	_ =	strace $0xD0000000  }
0x3: {  	_ = 	snop  }
0x4: {  	_ = 	snop  }
0x5: {  	_ = 	snop  }
0x6: {  	_ = 	snop  }
0x7: {  	_ = 	snop  }
__scs_overlays_trampoline_lowered:
0x8: {  	[smem:$0x3FAD] =	sst s0  }
0x9: {  	[smem:$0x3FAE] =	sst s1  }
0xa: {  	[smem:$0x3FAF] =	sst s2  }
0xb: {  	[smem:$0x3FB0] =	sst s3  }
0xc: {  	[smem:$0x3FB1] =	sst s4  }
0xd: {  	[smem:$0x3FB2] =	sst s5  }
0xe: {  	[smem:$0x3FB3] =	sst s6  }
0xf: {  	[smem:$0x3FB4] =	sst s7  }
0x10: {  	[smem:$0x3FB5] =	sst s8  }
0x11: {  	[smem:$0x3FB6] =	sst s9;
	s0 =	simm.s32 @!p0 $0x0  }
0x12: {  	s1 =	sld [smem:$0x3F9C];
	s0 =	simm.s32 @p0 $0x1  }
0x13: {  	[smem:$0x3FB7] =	sst s0;
	s0 =	simm.s32 @!p1 $0x0  }
0x14: {  	s2 =	sld [smem:$0x3F9B];
	s0 =	simm.s32 @p1 $0x1  }
0x15: {  	[smem:$0x3FB8] =	sst s0;
	s0 =	simm.s32 @!p2 $0x0  }
0x16: {  	s3 =	sld [smem:$0x3FDB];
	s0 =	simm.s32 @p2 $0x1  }
0x17: {  	s4 =	simm.s32 $0x1BF5;
	[smem:$0x3FBA] =	sst s0  }
0x18: {  	s0 =	sld [smem:$0x3F9D];
	_ =	swait.ge [sflag:s4], $0x0  }
0x19: {  	s7 =	sld [smem:$0x3F9E]  }
0x1a: {  	s8 =	sadd.s32 $0xFFFFE003, lr  }
0x1b: {  	s9 =	sadd.s32 $0xFFFFFEF7, lr;
	s5 =	simm.s32 $0xFFFFFFFF;
	p2 =	slt.u32 s8, $0xFFFFF086  }
0x1c: {  	p1 =	slt.u32 s9, $0xF7A;
	s5 =	simm.s32 @!p2 $0x0  }
0x1d: {  	s5 =	simm.s32 @p1 $0x1;
	p0 =	seq.s32 s7, s2  }
0x1e: {  	s7 =	smul.u32 @!p0 $0xF7A, s2;
	p2 =	seq.s32 @!p0 s5, $0x0  }
0x1f: {  	s9 =	smul.u32 $0xF7A, s1;
	s8 =	simm.s32 @!p0 $0x1BF5;
	p2 =	por !p2, p0  }
0x20: {  	[sflag:s8] =	ssyncset.s32 @!p0 $0xFFFFF086;
	s6 =	sadd.s32 @!p0 s3, s7;
	s7 =	simm.s32 @!p0 $0x108  }
0x21: {  	s3 =	sadd.s32 s3, s9;
	s6 =	sadd.s32 @!p0 $0x88, s6;
	s7 =	simm.s32 @p2 $0x1082  }
0x22: {  	[simem:s7], [sflag:s8] =	dma.local @!p0 [hbm:s6], $0xF7A  }
0x23: {  	s9 =	sor.u32 $0xD0000000, s2;
	s6 =	simm.s32 $0x108;
	_ =	swait.ge @!p0 [sflag:s8], $0x0  }
0x24: {  	s3 =	sadd.s32 $0x88, s3;
	s6 =	simm.s32 @!p1 $0x1082;
	[sflag:s4] =	ssyncset.s32 $0xFFFFF086  }
0x25: {  	[simem:s6], [sflag:s4] =	dma.local [hbm:s3], $0xF7A  }
0x26: {  	[smem:$0x3F9E] =	sst s1;
	(tag) =	ssettag s2;
	_ =	strace s9  }
0x27: {  	s1 =	sld [smem:$0x3FAE]  }
0x28: {  	s2 =	sld [smem:$0x3FAF]  }
0x29: {  	s4 =	sld [smem:$0x3FB1]  }
0x2a: {  	p0 =	seq.s32 s5, $0x0;
	s5 =	sld [smem:$0x3FB2]  }
0x2b: {  	s6 =	sld [smem:$0x3FB3]  }
0x2c: {  	s7 =	sld [smem:$0x3FB4]  }
0x2d: {  	s3 =	simm.s32 $0x108;
	s8 =	sld [smem:$0x3FB5]  }
0x2e: {  	s3 =	simm.s32 @!p0 $0x1082;
	s9 =	sld [smem:$0x3FB6]  }
0x2f: {  	lr =	sadd.s32 s0, s3;
	s0 =	sld [smem:$0x3FAD]  }
0x30: {  	s3 =	sld [smem:$0x3FB0]  }
0x31: {  	[smem:$0x3FB9] =	sst s10  }
0x32: {  	s10 =	sld [smem:$0x3FB7];
	_ =	sdelay $0x3  }
0x33: {  	p0 =	seq.s32 s10, $0x1;
	s10 =	sld [smem:$0x3FB9];
	_ =	sdelay $0x3  }
0x34: {  	[smem:$0x3FB9] =	sst s10  }
0x35: {  	s10 =	sld [smem:$0x3FB8];
	_ =	sdelay $0x3  }
0x36: {  	p1 =	seq.s32 s10, $0x1;
	s10 =	sld [smem:$0x3FB9];
	_ =	sdelay $0x3  }
0x37: {  	[smem:$0x3FB9] =	sst s10  }
0x38: {  	s10 =	sld [smem:$0x3FBA]  }
0x39: {  	_ = 	snop;
	(pc) =	sbr.ind lr, $3  }
0x3a: {  	_ = 	snop  }
0x3b: {  	_ = 	snop  }
0x3c: {  	p2 =	seq.s32 s10, $0x1;
	s10 =	sld [smem:$0x3FB9]  }
0x3d: {  	_ =	shalt  }
0x3e: {  	_ =	shalt  }
0x3f: {  	_ =	shalt  }
0x40: {  	_ =	shalt  }
0x41: {  	_ =	shalt  }
0x42: {  	_ =	shalt  }
0x43: {  	_ =	shalt  }
0x44: {  	_ =	shalt  }
0x45: {  	_ =	shalt  }
0x46: {  	_ =	shalt  }
0x47: {  	_ =	shalt  }
0x48: {  	_ =	shalt  }
0x49: {  	_ =	shalt  }
0x4a: {  	_ =	shalt  }
0x4b: {  	_ =	shalt  }
0x4c: {  	_ =	shalt  }
0x4d: {  	_ =	shalt  }
0x4e: {  	_ =	shalt  }
0x4f: {  	_ =	shalt  }
0x50: {  	_ =	shalt  }
0x51: {  	_ =	shalt  }
0x52: {  	_ =	shalt  }
0x53: {  	_ =	shalt  }
0x54: {  	_ =	shalt  }
0x55: {  	_ =	shalt  }
0x56: {  	_ =	shalt  }
0x57: {  	_ =	shalt  }
0x58: {  	_ =	shalt  }
0x59: {  	_ =	shalt  }
0x5a: {  	_ =	shalt  }
0x5b: {  	_ =	shalt  }
0x5c: {  	_ =	shalt  }
0x5d: {  	_ =	shalt  }
0x5e: {  	_ =	shalt  }
0x5f: {  	_ =	shalt  }
0x60: {  	_ =	shalt  }
0x61: {  	_ =	shalt  }
0x62: {  	_ =	shalt  }
0x63: {  	_ =	shalt  }
0x64: {  	_ =	shalt  }
0x65: {  	_ =	shalt  }
0x66: {  	_ =	shalt  }
0x67: {  	_ =	shalt  }
0x68: {  	_ =	shalt  }
0x69: {  	_ =	shalt  }
0x6a: {  	_ =	shalt  }
0x6b: {  	_ =	shalt  }
0x6c: {  	_ =	shalt  }
0x6d: {  	_ =	shalt  }
0x6e: {  	_ =	shalt  }
0x6f: {  	_ =	shalt  }
0x70: {  	_ =	shalt  }
0x71: {  	_ =	shalt  }
0x72: {  	_ =	shalt  }
0x73: {  	_ =	shalt  }
0x74: {  	_ =	shalt  }
0x75: {  	_ =	shalt  }
0x76: {  	_ =	shalt  }
0x77: {  	_ =	shalt  }
0x78: {  	_ =	shalt  }
0x79: {  	_ =	shalt  }
0x7a: {  	_ =	shalt  }
0x7b: {  	_ =	shalt  }
0x7c: {  	_ =	shalt  }
0x7d: {  	_ =	shalt  }
0x7e: {  	_ =	shalt  }
0x7f: {  	_ =	shalt  }
0x80: {  	_ =	shalt  }
0x81: {  	_ =	shalt  }
0x82: {  	_ =	shalt  }
0x83: {  	_ =	shalt  }
0x84: {  	_ =	shalt  }
0x85: {  	_ =	shalt  }
0x86: {  	_ =	shalt  }
0x87: {  	_ =	shalt  }
.Lfunc_end0:
.L_simem_size_0:
called_computation.2_lowered:
.L_overlay_start_0:
0x88: {  	s2 =	sld [smem:$0x3FD9]  }
0x89: {  	s3 =	sld [smem:$0x3FFE];
	_ =	sdelay $0x1  }
0x8a: {  	s1 =	srdreg.scid  }
0x8b: {  	s0 =	sand.u32 $0x1, s1  }
0x8c: {  	s17 =	sshll.u32 s0, $0xA;
	s2 =	sadd.s32 s3, s2  }
0x8d: {  	s2 =	sadd.s32 s2, s17  }
0x8e: {  	[smem:$0x3FC5] =	sst s2  }
0x8f: {  	_ = 	snop  }
0x90: {  	s2 =	sld [smem:$0x3FD0];
	(tm) =	ssettm $0x1  }
0x91: {  	s18 =	sld [smem:$0x3FFB];
	_ =	sdelay $0x3  }
0x92: {  	_ =	strace s18  }
0x93: {  	s3 =	sld [smem:$0x3FFC];
	_ =	sdelay $0x3  }
0x94: {  	_ =	strace s3  }
0x95: {  	s3 =	sld [smem:$0x3FFD];
	_ =	sdelay $0x3  }
0x96: {  	_ =	strace s3  }
0x97: {  	_ =	strace $0x8FFFFFFF  }
0x98: {  	s19 =	sld [smem:$0x3FDB];
	_ =	sdelay $0x1  }
0x99: {  	s4 =	simm.s32 $_scs_section_size  }
0x9a: {  	s5 =	simm.s32 $_size__tile_overlayer_lowered;
	s6 =	simm.s32 $_tile_overlayer_lowered  }
0x9b: {  	s22 =	simm.s32 $0x1BFF;
	s21 =	sshll.u32 s6, $0x1;
	s3 =	sadd.s32 s4, s19  }
0x9c: {  	s7 =	simm.s32 $0x0;
	s20 =	sshll.u32 s5, $0x1;
	s5 =	sadd.s32 s21, s3  }
0x9d: {  	[timem:s7], [sflag:s22] =	dma.local [hbm:s5], s20  }
0x9e: {  	_ =	swait.ge [sflag:s22], s20  }
0x9f: {  	s4 =	ssub.s32 $0x0, s20;
	[sflag:s22] =	ssyncset.done $0x0  }
0xa0: {  	[sflag:s22] =	ssyncadd.s32 s4;
	_ =	sdelay $0x1  }
0xa1: {  	s23 =	simm.s32 $0x1B8B  }
0xa2: {  	_ =	swait.ge [sflag:s23], $0x1  }
0xa3: {  	[sflag:s23] =	ssyncset.done $0x0  }
0xa4: {  	s25 =	simm.s32 $0x1B8E;
	s24 =	sld [smem:$0x3FFE];
	[sflag:s23] =	ssyncadd.s32 $0xFFFFFFFF  }
0xa5: {  	s26 =	simm.s32 $execute0_lowered;
	[smem:$0x3FD2] =	sst s25  }
0xa6: {  	s5 =	sshll.u32 s26, $0x1;
	_ =	strace $0x8000005B;
	[dreg:$0x1] =	wrdreg $0xFFFFFFFF  }
0xa7: {  	s28 =	simm.s32 $_size_execute0_lowered;
	s3 =	sadd.s32 s3, s5;
	[dreg:$0x0] =	wrdreg $0x0  }
0xa8: {  	s5 =	sshll.u32 s28, $0x1;
	[dreg:$0x2] =	wrdreg s3  }
0xa9: {  	[dreg:$0x3] =	wrdreg s5  }
0xaa: {  	[dreg:$0x4] =	wrdreg $0xC0  }
0xab: {  	_ =	task [dreg:s7], $0x5FFFF  }
0xac: {  	[dreg:$0x1] =	wrdreg $0xFFFFFFFF  }
0xad: {  	[dreg:$0x0] =	wrdreg $0x60  }
0xae: {  	[dreg:$0x2] =	wrdreg s24  }
0xaf: {  	[dreg:$0x3] =	wrdreg s2  }
0xb0: {  	[dreg:$0x4] =	wrdreg $0x9  }
0xb1: {  	_ =	task.clear_ibuf [dreg:s7], $0x5FFFF;
	_ =	strace $0x9000005B  }
0xb2: {  	s29 =	simm.s32 $0x9;
	_ =	strace $0x8000005D  }
0xb3: {  	_ =	swait.ge [sflag:s29], $0x1  }
0xb4: {  	[sflag:s29] =	ssyncadd.s32 $0xFFFFFFFF  }
0xb5: {  	_ =	strace $0x9000005D  }
0xb6: {  	_ =	sfence  }
0xb7: {  	s30 =	sld [smem:$0x0];
	_ =	sdelay $0x2  }
0xb8: {  	s31 =	sshll.u32 s1, $0xD;
	s1 =	sshrl.u32 s1, $0x2  }
0xb9: {  	s3 =	sand.u32 $0x4000, s31;
	s1 =	sadd.s32 s1, s30  }
0xba: {  	s0 =	sor.u32 s3, s0;
	s1 =	sshll.u32 s1, $0x11  }
0xbb: {  	s0 =	sor.u32 s1, s0  }
0xbc: {  	s0 =	sadd.s32 $0x8F2B, s0  }
0xbd: {  	[sflag:s0] =	ssyncadd.remote.s32 $0x1  }
0xbe: {  	_ =	sfence.sel $0xFFFF  }
0xbf: {  	[dreg:$0x0] =	wrdreg $0xFFFFFFFF;
	(pc) =	sbr.abs _section_cstart, $3  }
0xc0: {  	[dreg:$0x1] =	wrdreg $0xFFFFFFFF  }
0xc1: {  	_ =	task.clear_ibuf [dreg:s7], $0x2FFFF;
	_ =	strace $0x9FFFFFFF  }
0xc2: {  	(tm) =	ssettm $0x7FFFFFFF  }
0xc3: {  	_ =	shalt  }
tec
execute0_lowered:
.L_overlay_start_1:
0x0: {  	(tag) =	ssettag $0x1  }
0x1: {  	s0 =	srdreg.scid  }
0x2: {  	s1 =	sshll.u32 s0, $0x4  }
0x3: {  	s0 =	stileid.u32;
	s1 =	sand.u32 $0x10, s1  }
0x4: {  	s2 =	sor.u32 s0, s1  }
0x5: {  	s1 =	smin.u32 s2, $0x12  }
0x6: {  	s1 =	sadd.s32 s2, s1  }
0x7: {  	p0 =	slt.u32 s2, $0x12;
	s2 =	simm.s32 $0xA0;
	s1 =	smul.u32 $0x50, s1  }
0x8: {  	s2 =	simm.s32 @!p0 $0x50  }
0x9: {  	s2 =	sadd.s32 s2, s1  }
0xa: {  	s3 =	smin.u32 s2, $0xFA0  }
0xb: {  	s7 =	ssub.s32 s3, s1  }
0xc: {  	p0 =	sgt.s32 s7, $0x0  }
0xd: {  	s7 =	simm.s32 @!p0 $0x0  }
0xe: {  	s4 =	rddreg [dreg:$0x0];
	s31 =	smul.u32 $0xCCCD, s7  }
0xf: {  	s5 =	rddreg [dreg:$0x1]  }
0x10: {  	s6 =	simm.s32 $0x1;
	s10 =	simm.s32 $0x3;
	s8 =	sshrl.u32 s31, $0x16  }
0x11: {  	s13 =	simm.s32 $0x0;
	s12 =	simm.s32 $0x0;
	s9 =	smul.u32 $0x50, s8  }
.Ltmp0:
0x12: {  	s11 =	smov.u32 s1;
	s2 =	rddreg [dreg:$0x2];
	(pc) =	sbr.rel .LBB2_1-.Ltmp0, $4  }
0x13: {  	_ =	strace $0x8000005C;
	p0 =	sne.s32 s7, s9;
	s9 =	simm.s32 $0x1  }
0x14: {  	[sflag:s6] =	ssyncpa.u1 $0x0;
	s7 =	simm.s32 $0x2;
	s9 =	simm.s32 @!p0 $0x0  }
0x15: {  	[sflag:s7] =	ssyncpa.u1 $0x0;
	p0 =	por $0x0, $0x0;
	s8 =	sadd.s32 s8, s9  }
0x16: {  	vm0 =	vmmov $0xff;
	vm1 =	vcmask $0x3F20;
	s9 =	sadd.s32 $0x1F400, s4;
	[sflag:s10] =	ssyncpa.u1 $0x0;
	s10 =	sadd.s32 $0x1, s8  }
.LBB2_6:
0x17: {  	[hbm:s17] =	stream.linear.scatter [tilespmem:s14], [sflag:$0x3], $0x400, $0x38;
	[tilespmem:$0x50A0] =	vst v63  }
.LBB2_7:
0x18: {  	s13 =	sadd.s32 $0x50, s11  }
0x19: {  	s15 =	smov.u32 s1;
	p2 =	slt.s32 s13, s3  }
0x1a: {  	s15 =	smov.u32 @p2 s13;
	p2 =	sne.s32 s12, s10  }
.Ltmp1:
0x1b: {  	p1 =	slt.u32 s12, $0x2;
	(pc) =	sbr.rel @!p2 .LBB2_8-.Ltmp1, $4  }
0x1c: {  	s14 =	simm.s32 @!p1 $0x3  }
0x1d: {  	s16 =	sadd.s32 $0x1, s12;
	_ =	swait.ge @!p1 [sflag:s14], $0x2800  }
0x1e: {  	p0 =	por !p0, !p0;
	s13 =	smov.u32 s11;
	[sflag:s14] =	ssyncset.done @!p1 $0x0  }
0x1f: {  	s12 =	smov.u32 s16;
	s11 =	smov.u32 s15;
	[sflag:s14] =	ssyncadd.s32 @!p1 $0xFFFFD800  }
.LBB2_1:
0x20: {  	p1 =	sge.u32 s12, s8  }
0x21: {  	s14 =	sxor.u32 @!p1 $0xFFFFFFFF, s12  }
0x22: {  	s14 =	sand.u32 @!p1 $0x1, s14  }
0x23: {  	s14 =	smul.u32 @!p1 $0x140, s14  }
0x24: {  	s31 =	sadd.s32 $0xFFFFFFFF, s12;
	s15 =	sshrl.u32 @!p1 s11, $0x3  }
0x25: {  	s16 =	sand.u32 @!p1 $0x7, s11;
	s15 =	sadd.s32 @!p1 s5, s15;
	s14 =	sshrl.u32 @!p1 s14, $0x2  }
0x26: {  	[tilespmem:s14], [sflag:$0x2] =	stream.linear.gather @!p1 [hbm4b:s15+s16], $0x50, $0x38;
	[tilespmem:$0x50A0] =	vst v63  }
0x27: {  	p1 =	sge.u32 s31, s8  }
.Ltmp2:
0x28: {  	_ = 	snop;
	(pc) =	sbr.rel @p1 .LBB2_7-.Ltmp2, $1  }
0x29: {  	_ =	sdelay $0x3  }
0x2a: {  	s14 =	simm.s32 $0x1  }
0x2b: {  	s14 =	simm.s32 @!p0 $0x0  }
0x2c: {  	s15 =	smul.u32 $0x140, s14  }
0x2d: {  	_ =	swait.ge [sflag:s7], $0x50  }
0x2e: {  	[sflag:s7] =	ssyncset.done $0x0;
	s16 =	sshrl.u32 s15, $0x2  }
0x2f: {  	[sflag:s7] =	ssyncadd.s32 $0xFFFFFFB0;
	s15 =	sadd.s32 $0x0, s16  }
0x30: {  	v0 =	vld.msk [tilespmem:s15+$0x0 ss:$0x1], $0xffff;
	_ =	sdelay $0x4  }
0x31: {  	v1 =	vand.u32 $0x3, v0;
	v2 =	vshll.u32 v0, $0x5  }
0x32: {  	vm2 =	veq.s32 v0, $0x80000000;
	v0 =	vmul.u32 $0x3E800, v1;
	v1 =	vand.u32 $0x3FF80, v2  }
0x33: {  	v1 =	vsel vm2, $0xFFFFFF80, v1  }
0x34: {  	v0 =	vsel vm2, $0xFFFC1800, v0;
	v2 =	vand.u32 $0xFFFFFC00, v1  }
0x35: {  	v1 =	vand.u32 $0x380, v1;
	v0 =	vadd.s32 v0, v2  }
0x36: {  	v0 =	vor.u32 v1, v0  }
0x37: {  	v0 =	vshrl.u32 v0, $0x3  }
0x38: {  	s14 =	smul.u32 $0xA000, s14;
	_ =	sdelay $0x1  }
0x39: {  	s14 =	sshrl.u32 s14, $0x2  }
0x3a: {  	s14 =	sor.u32 $0xA0, s14  }
0x3b: {  	[tilespmem:s14], [sflag:$0x1] =	stream.indirect_vreg.gather [hbm:s4], $0x80, v0, vm0, $0x38;
	[tilespmem:$0x50A0] =	vst v63  }
0x3c: {  	s17 =	sadd.s32 $0x10, s16;
	s15 =	sadd.s32 $0x400, s14  }
0x3d: {  	[tilespmem:s15], [sflag:$0x1] =	stream.indirect_vreg.gather [hbm:s4], $0x80, v0, vm1, $0x38;
	[tilespmem:$0x50A0] =	vst v63  }
0x3e: {  	s18 =	simm.s32 $0x80;
	v0 =	vld.msk [tilespmem:s17+$0x0 ss:$0x1], $0xffff;
	s17 =	smov.u32 s14  }
.LBB2_3:
0x3f: {  	p1 =	sne.s32 s18, $0x100;
	_ =	sdelay $0x4  }
0x40: {  	v1 =	vand.u32 $0x3, v0;
	v2 =	vshll.u32 v0, $0x5  }
0x41: {  	vm2 =	veq.s32 v0, $0x80000000;
	v0 =	vmul.u32 $0x3E800, v1;
	v1 =	vand.u32 $0x3FF80, v2  }
0x42: {  	v1 =	vsel vm2, $0xFFFFFF80, v1  }
0x43: {  	v0 =	vsel vm2, $0xFFFC1800, v0;
	v2 =	vand.u32 $0xFFFFFC00, v1  }
0x44: {  	v1 =	vand.u32 $0x380, v1;
	v0 =	vadd.s32 v0, v2  }
0x45: {  	v0 =	vor.u32 v1, v0  }
0x46: {  	v0 =	vshrl.u32 v0, $0x3;
	_ =	sdelay $0x3  }
.Ltmp3:
0x47: {  	s19 =	sshra.s32 s18, $0x2;
	s17 =	sadd.s32 $0x800, s17;
	(pc) =	sbr.rel @p1 .LBB2_3-.Ltmp3, $4  }
0x48: {  	[tilespmem:s17], [sflag:$0x1] =	stream.indirect_vreg.gather [hbm:s4], $0x80, v0, vm0, $0x38;
	[tilespmem:$0x50A0] =	vst v63  }
0x49: {  	s19 =	sadd.s32 s19, s16;
	s20 =	sadd.s32 $0x400, s17  }
0x4a: {  	[tilespmem:s20], [sflag:$0x1] =	stream.indirect_vreg.gather [hbm:s4], $0x80, v0, vm1, $0x38;
	[tilespmem:$0x50A0] =	vst v63  }
0x4b: {  	s18 =	sadd.s32 $0x40, s18;
	v0 =	vld.msk [tilespmem:s19+$0x0 ss:$0x1], $0xffff  }
0x4c: {  	_ =	sdelay $0x3  }
0x4d: {  	v1 =	vand.u32 $0x3, v0;
	v2 =	vshll.u32 v0, $0x5  }
0x4e: {  	vm2 =	veq.s32 v0, $0x80000000;
	v61 =	vmul.u32 $0x3E800, v1;
	v62 =	vand.u32 $0x3FF80, v2  }
0x4f: {  	v1 =	vsel vm2, $0xFFFFFF80, v62  }
0x50: {  	v0 =	vsel vm2, $0xFFFC1800, v61;
	v63 =	vand.u32 $0xFFFFFC00, v1  }
0x51: {  	v1 =	vand.u32 $0x380, v1;
	v0 =	vadd.s32 v0, v63  }
0x52: {  	v0 =	vor.u32 v1, v0  }
0x53: {  	v0 =	vshrl.u32 v0, $0x3;
	_ =	sdelay $0x3  }
0x54: {  	s16 =	sadd.s32 $0x800, s17  }
0x55: {  	[tilespmem:s16], [sflag:$0x1] =	stream.indirect_vreg.gather [hbm:s4], $0x80, v0, vm0, $0x38;
	[tilespmem:$0x50A0] =	vst v63  }
0x56: {  	s16 =	sadd.s32 $0x400, s16  }
0x57: {  	[tilespmem:s16], [sflag:$0x1] =	stream.indirect_vreg.gather [hbm:s4], $0x80, v0, vm1, $0x38;
	[tilespmem:$0x50A0] =	vst v63  }
0x58: {  	s13 =	sshll.u32 s13, $0x4;
	_ =	swait.ge [sflag:s6], $0x2800  }
0x59: {  	s13 =	sadd.s32 s13, s9;
	[sflag:s6] =	ssyncset.done $0x0  }
0x5a: {  	s17 =	sadd.s32 $0x0, s13;
	s16 =	simm.s32 $0x80;
	[sflag:s6] =	ssyncadd.s32 $0xFFFFD800  }
.LBB2_5:
0x5b: {  	[hbm:s17] =	stream.linear.scatter [tilespmem:s14], [sflag:$0x3], $0x400, $0x38;
	[tilespmem:$0x50A0] =	vst v63  }
0x5c: {  	s17 =	smov.u32 s16;
	s14 =	smov.u32 s15;
	p1 =	sne.s32 s16, $0x480  }
.Ltmp4:
0x5d: {  	s16 =	sadd.s32 $0x80, s16;
	(pc) =	sbr.rel @p1 .LBB2_5-.Ltmp4, $2  }
0x5e: {  	_ =	sdelay $0x2  }
0x5f: {  	s15 =	sadd.s32 $0x400, s15;
	s17 =	sadd.s32 s17, s13  }
.Ltmp5:
0x60: {  	_ = 	snop;
	(pc) =	sbr.rel .LBB2_6-.Ltmp5, $1  }
0x61: {  	_ =	sdelay $0x3  }
.LBB2_8:
0x62: {  	_ =	sfence.sel $0x180000  }
0x63: {  	s1 =	simm.s32 $0x2;
	[bflag:$0x0] =	sbarrier.arrive $0xFFFF  }
0x64: {  	s30 =	simm.s32 $0x3;
	[sflag:s1] =	ssyncpa.u1 $0x1  }
0x65: {  	s31 =	simm.s32 $0x1;
	[sflag:s30] =	ssyncpa.u1 $0x1  }
0x66: {  	[sflag:s31] =	ssyncpa.u1 $0x1  }
0x67: {  	p0 =	sne.s32 s0, $0x0;
	_ =	strace $0x9000005C  }
0x68: {  	s0 =	sadd.s32 @!p0 $0x100000, s2;
	[bflag:$0x2] =	sbarrier.arrive $0xFFFF  }
0x69: {  	[sflag:s0] =	ssyncadd.tile.s32 @!p0 $0x1;
	_ =	shalt  }
.Lfunc_end2:
_tile_overlayer_lowered:
.L_overlay_start_2:
0x6a: {  	(tag) =	ssettag $0x2  }
0x6b: {  	s0 =	rddreg [dreg:$0x0];
	s2 =	stileid.u32  }
0x6c: {  	s1 =	rddreg [dreg:$0x1];
	p0 =	sne.s32 s2, $0x0  }
0x6d: {  	s3 =	rddreg [dreg:$0x2];
	[bflag:$0x3] =	sbarrier.arrive $0xFFFF;
	s2 =	simm.s32 @!p0 $0x1C01  }
0x6e: {  	[timem:s3], [sflag:s2] =	dma.local @!p0 [hbm:s0], s1  }
0x6f: {  	s0 =	simm.s32 @!p0 $0x1  }
0x70: {  	_ =	swait.ge @!p0 [sflag:s0], s1  }
0x71: {  	s1 =	ssub.s32 @!p0 $0x0, s1;
	[sflag:s0] =	ssyncset.done @!p0 $0x0  }
0x72: {  	[sflag:s0] =	ssyncadd.s32 @!p0 s1  }
0x73: {  	[bflag:$0x3] =	sbarrier.arrive $0xFFFF  }
0x74: {  	_ =	shalt  }

// kernel: gather_offload_async_start.3
scs
__scs_entry_jumppad:
0x0: {  	(pc) =	sbr.rel $0x88, $3  }
0x1: {  	(tag) =	ssettag $0x0;
	lr =	simm.s32 $0x1  }
0x2: {  	[smem:$0x3F9E] =	sst lr;
	_ =	strace $0xD0000000  }
0x3: {  	_ = 	snop  }
0x4: {  	_ = 	snop  }
0x5: {  	_ = 	snop  }
0x6: {  	_ = 	snop  }
0x7: {  	_ = 	snop  }
__scs_overlays_trampoline_lowered:
0x8: {  	[smem:$0x3FAD] =	sst s0  }
0x9: {  	[smem:$0x3FAE] =	sst s1  }
0xa: {  	[smem:$0x3FAF] =	sst s2  }
0xb: {  	[smem:$0x3FB0] =	sst s3  }
0xc: {  	[smem:$0x3FB1] =	sst s4  }
0xd: {  	[smem:$0x3FB2] =	sst s5  }
0xe: {  	[smem:$0x3FB3] =	sst s6  }
0xf: {  	[smem:$0x3FB4] =	sst s7  }
0x10: {  	[smem:$0x3FB5] =	sst s8  }
0x11: {  	[smem:$0x3FB6] =	sst s9;
	s0 =	simm.s32 @!p0 $0x0  }
0x12: {  	s1 =	sld [smem:$0x3F9C];
	s0 =	simm.s32 @p0 $0x1  }
0x13: {  	[smem:$0x3FB7] =	sst s0;
	s0 =	simm.s32 @!p1 $0x0  }
0x14: {  	s2 =	sld [smem:$0x3F9B];
	s0 =	simm.s32 @p1 $0x1  }
0x15: {  	[smem:$0x3FB8] =	sst s0;
	s0 =	simm.s32 @!p2 $0x0  }
0x16: {  	s3 =	sld [smem:$0x3FDB];
	s0 =	simm.s32 @p2 $0x1  }
0x17: {  	s4 =	simm.s32 $0x1BF5;
	[smem:$0x3FBA] =	sst s0  }
0x18: {  	s0 =	sld [smem:$0x3F9D];
	_ =	swait.ge [sflag:s4], $0x0  }
0x19: {  	s7 =	sld [smem:$0x3F9E]  }
0x1a: {  	s8 =	sadd.s32 $0xFFFFE003, lr  }
0x1b: {  	s9 =	sadd.s32 $0xFFFFFEF7, lr;
	s5 =	simm.s32 $0xFFFFFFFF;
	p2 =	slt.u32 s8, $0xFFFFF086  }
0x1c: {  	p1 =	slt.u32 s9, $0xF7A;
	s5 =	simm.s32 @!p2 $0x0  }
0x1d: {  	s5 =	simm.s32 @p1 $0x1;
	p0 =	seq.s32 s7, s2  }
0x1e: {  	s7 =	smul.u32 @!p0 $0xF7A, s2;
	p2 =	seq.s32 @!p0 s5, $0x0  }
0x1f: {  	s9 =	smul.u32 $0xF7A, s1;
	s8 =	simm.s32 @!p0 $0x1BF5;
	p2 =	por !p2, p0  }
0x20: {  	[sflag:s8] =	ssyncset.s32 @!p0 $0xFFFFF086;
	s6 =	sadd.s32 @!p0 s3, s7;
	s7 =	simm.s32 @!p0 $0x108  }
0x21: {  	s3 =	sadd.s32 s3, s9;
	s6 =	sadd.s32 @!p0 $0x88, s6;
	s7 =	simm.s32 @p2 $0x1082  }
0x22: {  	[simem:s7], [sflag:s8] =	dma.local @!p0 [hbm:s6], $0xF7A  }
0x23: {  	s9 =	sor.u32 $0xD0000000, s2;
	s6 =	simm.s32 $0x108;
	_ =	swait.ge @!p0 [sflag:s8], $0x0  }
0x24: {  	s3 =	sadd.s32 $0x88, s3;
	s6 =	simm.s32 @!p1 $0x1082;
	[sflag:s4] =	ssyncset.s32 $0xFFFFF086  }
0x25: {  	[simem:s6], [sflag:s4] =	dma.local [hbm:s3], $0xF7A  }
0x26: {  	[smem:$0x3F9E] =	sst s1;
	(tag) =	ssettag s2;
	_ =	strace s9  }
0x27: {  	s1 =	sld [smem:$0x3FAE]  }
0x28: {  	s2 =	sld [smem:$0x3FAF]  }
0x29: {  	s4 =	sld [smem:$0x3FB1]  }
0x2a: {  	p0 =	seq.s32 s5, $0x0;
	s5 =	sld [smem:$0x3FB2]  }
0x2b: {  	s6 =	sld [smem:$0x3FB3]  }
0x2c: {  	s7 =	sld [smem:$0x3FB4]  }
0x2d: {  	s3 =	simm.s32 $0x108;
	s8 =	sld [smem:$0x3FB5]  }
0x2e: {  	s3 =	simm.s32 @!p0 $0x1082;
	s9 =	sld [smem:$0x3FB6]  }
0x2f: {  	lr =	sadd.s32 s0, s3;
	s0 =	sld [smem:$0x3FAD]  }
0x30: {  	s3 =	sld [smem:$0x3FB0]  }
0x31: {  	[smem:$0x3FB9] =	sst s10  }
0x32: {  	s10 =	sld [smem:$0x3FB7];
	_ =	sdelay $0x3  }
0x33: {  	p0 =	seq.s32 s10, $0x1;
	s10 =	sld [smem:$0x3FB9];
	_ =	sdelay $0x3  }
0x34: {  	[smem:$0x3FB9] =	sst s10  }
0x35: {  	s10 =	sld [smem:$0x3FB8];
	_ =	sdelay $0x3  }
0x36: {  	p1 =	seq.s32 s10, $0x1;
	s10 =	sld [smem:$0x3FB9];
	_ =	sdelay $0x3  }
0x37: {  	[smem:$0x3FB9] =	sst s10  }
0x38: {  	s10 =	sld [smem:$0x3FBA]  }
0x39: {  	_ = 	snop;
	(pc) =	sbr.ind lr, $3  }
0x3a: {  	_ = 	snop  }
0x3b: {  	_ = 	snop  }
0x3c: {  	p2 =	seq.s32 s10, $0x1;
	s10 =	sld [smem:$0x3FB9]  }
0x3d: {  	_ =	shalt  }
0x3e: {  	_ =	shalt  }
0x3f: {  	_ =	shalt  }
0x40: {  	_ =	shalt  }
0x41: {  	_ =	shalt  }
0x42: {  	_ =	shalt  }
0x43: {  	_ =	shalt  }
0x44: {  	_ =	shalt  }
0x45: {  	_ =	shalt  }
0x46: {  	_ =	shalt  }
0x47: {  	_ =	shalt  }
0x48: {  	_ =	shalt  }
0x49: {  	_ =	shalt  }
0x4a: {  	_ =	shalt  }
0x4b: {  	_ =	shalt  }
0x4c: {  	_ =	shalt  }
0x4d: {  	_ =	shalt  }
0x4e: {  	_ =	shalt  }
0x4f: {  	_ =	shalt  }
0x50: {  	_ =	shalt  }
0x51: {  	_ =	shalt  }
0x52: {  	_ =	shalt  }
0x53: {  	_ =	shalt  }
0x54: {  	_ =	shalt  }
0x55: {  	_ =	shalt  }
0x56: {  	_ =	shalt  }
0x57: {  	_ =	shalt  }
0x58: {  	_ =	shalt  }
0x59: {  	_ =	shalt  }
0x5a: {  	_ =	shalt  }
0x5b: {  	_ =	shalt  }
0x5c: {  	_ =	shalt  }
0x5d: {  	_ =	shalt  }
0x5e: {  	_ =	shalt  }
0x5f: {  	_ =	shalt  }
0x60: {  	_ =	shalt  }
0x61: {  	_ =	shalt  }
0x62: {  	_ =	shalt  }
0x63: {  	_ =	shalt  }
0x64: {  	_ =	shalt  }
0x65: {  	_ =	shalt  }
0x66: {  	_ =	shalt  }
0x67: {  	_ =	shalt  }
0x68: {  	_ =	shalt  }
0x69: {  	_ =	shalt  }
0x6a: {  	_ =	shalt  }
0x6b: {  	_ =	shalt  }
0x6c: {  	_ =	shalt  }
0x6d: {  	_ =	shalt  }
0x6e: {  	_ =	shalt  }
0x6f: {  	_ =	shalt  }
0x70: {  	_ =	shalt  }
0x71: {  	_ =	shalt  }
0x72: {  	_ =	shalt  }
0x73: {  	_ =	shalt  }
0x74: {  	_ =	shalt  }
0x75: {  	_ =	shalt  }
0x76: {  	_ =	shalt  }
0x77: {  	_ =	shalt  }
0x78: {  	_ =	shalt  }
0x79: {  	_ =	shalt  }
0x7a: {  	_ =	shalt  }
0x7b: {  	_ =	shalt  }
0x7c: {  	_ =	shalt  }
0x7d: {  	_ =	shalt  }
0x7e: {  	_ =	shalt  }
0x7f: {  	_ =	shalt  }
0x80: {  	_ =	shalt  }
0x81: {  	_ =	shalt  }
0x82: {  	_ =	shalt  }
0x83: {  	_ =	shalt  }
0x84: {  	_ =	shalt  }
0x85: {  	_ =	shalt  }
0x86: {  	_ =	shalt  }
0x87: {  	_ =	shalt  }
.Lfunc_end0:
.L_simem_size_0:
called_computation.3_lowered:
.L_overlay_start_0:
0x88: {  	s2 =	sld [smem:$0x3FD9]  }
0x89: {  	s3 =	sld [smem:$0x3FFE];
	_ =	sdelay $0x1  }
0x8a: {  	s1 =	srdreg.scid  }
0x8b: {  	s0 =	sand.u32 $0x1, s1  }
0x8c: {  	s17 =	sshll.u32 s0, $0xA;
	s2 =	sadd.s32 s3, s2  }
0x8d: {  	s2 =	sadd.s32 s2, s17  }
0x8e: {  	[smem:$0x3FC5] =	sst s2  }
0x8f: {  	_ = 	snop  }
0x90: {  	s18 =	sld [smem:$0x3FD0];
	(tm) =	ssettm $0x1  }
0x91: {  	s19 =	sld [smem:$0x3FFB];
	_ =	sdelay $0x3  }
0x92: {  	_ =	strace s19  }
0x93: {  	s2 =	sld [smem:$0x3FFC];
	_ =	sdelay $0x3  }
0x94: {  	_ =	strace s2  }
0x95: {  	s2 =	sld [smem:$0x3FFD];
	_ =	sdelay $0x3  }
0x96: {  	_ =	strace s2  }
0x97: {  	_ =	strace $0x8FFFFFFF  }
0x98: {  	s20 =	sld [smem:$0x3FDB];
	_ =	sdelay $0x1  }
0x99: {  	s4 =	simm.s32 $_scs_section_size  }
0x9a: {  	s5 =	simm.s32 $_size__tile_overlayer_lowered;
	s6 =	simm.s32 $_tile_overlayer_lowered  }
0x9b: {  	s7 =	simm.s32 $0x1BFF;
	s21 =	sshll.u32 s6, $0x1;
	s4 =	sadd.s32 s4, s20  }
0x9c: {  	s22 =	simm.s32 $0x0;
	s5 =	sshll.u32 s5, $0x1;
	s6 =	sadd.s32 s21, s4  }
0x9d: {  	[timem:s22], [sflag:s7] =	dma.local [hbm:s6], s5  }
0x9e: {  	_ =	swait.ge [sflag:s7], s5  }
0x9f: {  	s5 =	ssub.s32 $0x0, s5;
	[sflag:s7] =	ssyncset.done $0x0  }
0xa0: {  	[sflag:s7] =	ssyncadd.s32 s5;
	_ =	sdelay $0x1  }
0xa1: {  	s23 =	simm.s32 $0x1B8B  }
0xa2: {  	_ =	swait.ge [sflag:s23], $0x1  }
0xa3: {  	[sflag:s23] =	ssyncset.done $0x0  }
0xa4: {  	[sflag:s23] =	ssyncadd.s32 $0xFFFFFFFF  }
0xa5: {  	s5 =	sld [smem:$0x0]  }
0xa6: {  	s6 =	sand.u32 $0xFFFFFFFE, s1  }
0xa7: {  	p0 =	sne.s32 s1, s6  }
0xa8: {  	s6 =	sshll.u32 @p0 s6, $0xE  }
0xa9: {  	s6 =	sadd.s32 @p0 $0x11B8D, s6;
	s7 =	sshll.u32 @p0 s5, $0x11  }
0xaa: {  	s6 =	sor.u32 @p0 s7, s6  }
0xab: {  	[sflag:s6] =	ssyncadd.remote.s32 @p0 $0x1;
	_ =	sdelay $0x1  }
0xac: {  	s6 =	simm.s32 @p0 $0x1B8D  }
0xad: {  	_ =	swait.eq @p0 [sflag:s6], $0x1  }
0xae: {  	[sflag:s6] =	ssyncadd.s32 @p0 $0xFFFFFFFF  }
0xaf: {  	s7 =	sshll.u32 @!p0 s1, $0xE  }
0xb0: {  	s7 =	sor.u32 @!p0 $0x4000, s7;
	s6 =	simm.s32 @!p0 $0x1B8D  }
0xb1: {  	s5 =	sshll.u32 @!p0 s5, $0x11;
	s7 =	sadd.s32 @!p0 $0x11B8D, s7;
	_ =	swait.eq @!p0 [sflag:s6], $0x1  }
0xb2: {  	s5 =	sor.u32 @!p0 s5, s7;
	[sflag:s6] =	ssyncadd.s32 @!p0 $0xFFFFFFFF  }
0xb3: {  	s25 =	simm.s32 $0x1B8E;
	s24 =	sld [smem:$0x3FFE];
	[sflag:s5] =	ssyncadd.remote.s32 @!p0 $0x1  }
0xb4: {  	s26 =	simm.s32 $execute0_lowered;
	[smem:$0x3FD2] =	sst s25  }
0xb5: {  	s6 =	sshll.u32 s26, $0x1;
	_ =	strace $0x80000058;
	[dreg:$0x1] =	wrdreg $0xFFFFFFFF  }
0xb6: {  	s28 =	simm.s32 $_size_execute0_lowered;
	s4 =	sadd.s32 s4, s6;
	[dreg:$0x0] =	wrdreg $0x0  }
0xb7: {  	s6 =	sshll.u32 s28, $0x1;
	[dreg:$0x2] =	wrdreg s4  }
0xb8: {  	[dreg:$0x3] =	wrdreg s6  }
0xb9: {  	[dreg:$0x4] =	wrdreg $0xC0  }
0xba: {  	_ =	task [dreg:s22], $0x5FFFF  }
0xbb: {  	[dreg:$0x1] =	wrdreg $0xFFFFFFFF  }
0xbc: {  	[dreg:$0x0] =	wrdreg $0x60  }
0xbd: {  	[dreg:$0x2] =	wrdreg s24  }
0xbe: {  	[dreg:$0x3] =	wrdreg s18  }
0xbf: {  	[dreg:$0x4] =	wrdreg $0x9  }
0xc0: {  	_ =	task.clear_ibuf [dreg:s22], $0x5FFFF;
	_ =	strace $0x90000058  }
0xc1: {  	s29 =	simm.s32 $0x9;
	_ =	strace $0x8000005A  }
0xc2: {  	_ =	swait.ge [sflag:s29], $0x1  }
0xc3: {  	[sflag:s29] =	ssyncadd.s32 $0xFFFFFFFF  }
0xc4: {  	_ =	strace $0x9000005A  }
0xc5: {  	_ =	sfence  }
0xc6: {  	s30 =	sld [smem:$0x0];
	_ =	sdelay $0x2  }
0xc7: {  	s31 =	sshll.u32 s1, $0xD;
	s1 =	sshrl.u32 s1, $0x2  }
0xc8: {  	s4 =	sand.u32 $0x4000, s31;
	s1 =	sadd.s32 s1, s30  }
0xc9: {  	s0 =	sor.u32 s4, s0;
	s1 =	sshll.u32 s1, $0x11  }
0xca: {  	s0 =	sor.u32 s1, s0  }
0xcb: {  	s0 =	sadd.s32 $0x8F2B, s0  }
0xcc: {  	[sflag:s0] =	ssyncadd.remote.s32 $0x1  }
0xcd: {  	_ =	sfence.sel $0xFFFF  }
0xce: {  	[dreg:$0x0] =	wrdreg $0xFFFFFFFF;
	(pc) =	sbr.abs _section_cstart, $3  }
0xcf: {  	[dreg:$0x1] =	wrdreg $0xFFFFFFFF  }
0xd0: {  	_ =	task.clear_ibuf [dreg:s22], $0x2FFFF;
	_ =	strace $0x9FFFFFFF  }
0xd1: {  	(tm) =	ssettm $0x7FFFFFFF  }
tec
execute0_lowered:
.L_overlay_start_1:
0x0: {  	(tag) =	ssettag $0x1  }
0x1: {  	s2 =	rddreg [dreg:$0x0]  }
0x2: {  	s0 =	stileid.u32;
	s1 =	srdreg.scid  }
0x3: {  	s3 =	rddreg [dreg:$0x1];
	s8 =	simm.s32 $0x1;
	s9 =	simm.s32 $0x3  }
0x4: {  	s10 =	simm.s32 $0x0;
	s4 =	sand.u32 $0x1, s1;
	s5 =	sshll.u32 s0, $0x1  }
0x5: {  	s13 =	simm.s32 $0x0;
	s12 =	simm.s32 $0x0;
	s6 =	sor.u32 s5, s4  }
0x6: {  	s1 =	rddreg [dreg:$0x2];
	_ =	strace $0x80000059;
	s4 =	smul.u32 $0xA0, s6  }
0x7: {  	s5 =	simm.s32 $0x1;
	p0 =	slt.u32 s6, $0x13;
	s6 =	simm.s32 $0x1400  }
.Ltmp0:
0x8: {  	s6 =	simm.s32 @!p0 $0x0;
	s7 =	ssub.s32 $0x1F40, s4;
	(pc) =	sbr.rel .LBB2_1-.Ltmp0, $4  }
0x9: {  	s8 =	simm.s32 @!p0 $0x0;
	p0 =	sne.s32 s7, s6;
	s7 =	simm.s32 $0x1  }
0xa: {  	[sflag:s5] =	ssyncpa.u1 $0x0;
	s6 =	simm.s32 $0x2;
	s7 =	simm.s32 @!p0 $0x0  }
0xb: {  	s11 =	smov.u32 s4;
	[sflag:s6] =	ssyncpa.u1 $0x0;
	s7 =	sadd.s32 s8, s7  }
0xc: {  	vm0 =	vmmov $0xffff;
	s8 =	sadd.s32 $0x1000, s2;
	[sflag:s9] =	ssyncpa.u1 $0x0;
	s9 =	sadd.s32 $0x1, s7  }
.LBB2_4:
0xd: {  	v5 =	vld.msk [tilespmem:s18+$0x0 ss:$0x1], $0xffff  }
0xe: {  	v6 =	vand.u32 $0x3, v1;
	v7 =	vshrl.u32 v1, $0x2  }
0xf: {  	v3 =	vor.u32 v4, v3;
	vm1 =	veq.s32 v1, $0x80000000;
	v53 =	vand.u32 $0x7FF, v7  }
0x10: {  	v2 =	vor.u32 v2, v3;
	v54 =	vsel vm1, $0xFFFFFFFF, v6;
	v1 =	vsel vm1, $0xFFFFFFFF, v53  }
0x11: {  	v6 =	vshll.u32 v54, $0x7;
	v3 =	vand.u32 $0xFFFFE000, v54;
	v55 =	vand.u32 $0x7F, v1  }
0x12: {  	v1 =	vshll.u32 v1, $0x2;
	v6 =	vand.u32 $0x180, v6;
	v56 =	vshrl.u32 v5, $0x2  }
0x13: {  	v1 =	vand.u32 $0xFFFFFE00, v1;
	vm1 =	veq.s32 v5, $0x80000000;
	v57 =	vand.u32 $0x7FF, v56  }
0x14: {  	v1 =	vadd.s32 v3, v1;
	v5 =	vand.u32 $0x3, v5;
	v3 =	vsel vm1, $0xFFFFFFFF, v57  }
0x15: {  	v1 =	vor.u32 v6, v1;
	v5 =	vsel vm1, $0xFFFFFFFF, v5;
	v58 =	vshll.u32 v3, $0x2  }
0x16: {  	v59 =	vshll.u32 v5, $0x7;
	v5 =	vand.u32 $0xFFFFE000, v5;
	v6 =	vand.u32 $0xFFFFFE00, v58  }
0x17: {  	v1 =	vor.u32 v55, v1;
	v61 =	vand.u32 $0x180, v59;
	v60 =	vadd.s32 v5, v6  }
0x18: {  	[tilespmem:s16], [sflag:$0x1] =	stream.indirect_vreg.gather [hbm4b:s2+s10], $0x1, v0, vm0, $0x4038;
	v62 =	vand.u32 $0x7F, v3;
	v63 =	vor.u32 v61, v60;
	[tilespmem:$0x280] =	vst v63  }
0x19: {  	(ifvalue) =	ssetifvalue $0x7FFFFFFF;
	v0 =	vor.u32 v62, v63  }
0x1a: {  	[tilespmem:s15], [sflag:$0x1] =	stream.indirect_vreg.gather [hbm4b:s2+s10], $0x1, v2, vm0, $0x4038;
	[tilespmem:$0x280] =	vst v63  }
0x1b: {  	s29 =	sadd.s32 $0x10, s15;
	(ifvalue) =	ssetifvalue $0x7FFFFFFF  }
0x1c: {  	[tilespmem:s29], [sflag:$0x1] =	stream.indirect_vreg.gather [hbm4b:s2+s10], $0x1, v1, vm0, $0x4038;
	[tilespmem:$0x280] =	vst v63  }
0x1d: {  	s15 =	sadd.s32 $0x10, s29;
	(ifvalue) =	ssetifvalue $0x7FFFFFFF  }
0x1e: {  	[tilespmem:s15], [sflag:$0x1] =	stream.indirect_vreg.gather [hbm4b:s2+s10], $0x1, v0, vm0, $0x4038;
	[tilespmem:$0x280] =	vst v63  }
0x1f: {  	_ =	swait.ge [sflag:s5], $0xA0  }
0x20: {  	s30 =	sshrl.u32 s13, $0x3;
	[sflag:s5] =	ssyncset.done $0x0  }
0x21: {  	s31 =	sand.u32 $0x7, s13;
	s15 =	sadd.s32 s3, s30;
	[sflag:s5] =	ssyncadd.s32 $0xFFFFFF60  }
0x22: {  	[hbm4b:s15+s31] =	stream.linear.scatter [tilespmem:s14], [sflag:$0x3], $0xA0, $0x38;
	[tilespmem:$0x280] =	vst v63  }
.LBB2_5:
0x23: {  	s15 =	sadd.s32 $0x1400, s11  }
0x24: {  	p1 =	sgt.s32 s15, $0x1F3F  }
0x25: {  	s15 =	smov.u32 @p1 s4;
	p1 =	sne.s32 s12, s9  }
.Ltmp1:
0x26: {  	p0 =	slt.u32 s12, $0x2;
	(pc) =	sbr.rel @!p1 .LBB2_6-.Ltmp1, $4  }
0x27: {  	s14 =	simm.s32 @!p0 $0x3  }
0x28: {  	_ =	swait.ge @!p0 [sflag:s14], $0xA0  }
0x29: {  	s16 =	sadd.s32 $0x1, s12;
	s13 =	smov.u32 s11;
	[sflag:s14] =	ssyncset.done @!p0 $0x0  }
0x2a: {  	s12 =	smov.u32 s16;
	s11 =	smov.u32 s15;
	[sflag:s14] =	ssyncadd.s32 @!p0 $0xFFFFFF60  }
.LBB2_1:
0x2b: {  	p0 =	sge.u32 s12, s7  }
0x2c: {  	s14 =	sxor.u32 @!p0 $0x1, s12  }
0x2d: {  	s14 =	smul.u32 @!p0 $0x280, s14  }
0x2e: {  	s31 =	sadd.s32 $0xFFFFFFFF, s12;
	s15 =	sshrl.u32 @!p0 s11, $0x3  }
0x2f: {  	s16 =	sand.u32 @!p0 $0x7, s11;
	s15 =	sadd.s32 @!p0 s8, s15;
	s14 =	sshra.s32 @!p0 s14, $0x2  }
0x30: {  	[tilespmem:s14], [sflag:$0x2] =	stream.linear.gather @!p0 [hbm4b:s15+s16], $0xA0, $0x38;
	[tilespmem:$0x280] =	vst v63  }
0x31: {  	p0 =	sge.u32 s31, s7  }
.Ltmp2:
0x32: {  	_ = 	snop;
	(pc) =	sbr.rel @p0 .LBB2_5-.Ltmp2, $1  }
0x33: {  	_ =	sdelay $0x3  }
0x34: {  	s14 =	sand.u32 $0x1, s12  }
0x35: {  	_ =	swait.ge [sflag:s6], $0xA0;
	p0 =	seq.s32 s14, $0x1;
	s14 =	simm.s32 $0xA0  }
0x36: {  	[sflag:s6] =	ssyncset.done $0x0;
	s14 =	simm.s32 @!p0 $0x0  }
0x37: {  	[sflag:s6] =	ssyncadd.s32 $0xFFFFFF60;
	(ifvalue) =	ssetifvalue $0x7FFFFFFF;
	v0 =	vld.msk [tilespmem:s14+$0x0 ss:$0x1], $0xffff;
	_ =	sdelay $0x4  }
0x38: {  	s15 =	sadd.s32 $0x10, s14;
	v2 =	vshrl.u32 v0, $0x2  }
0x39: {  	v1 =	vld.msk [tilespmem:s15+$0x0 ss:$0x1], $0xffff;
	vm1 =	veq.s32 v0, $0x80000000;
	v2 =	vand.u32 $0x7FF, v2  }
0x3a: {  	v0 =	vand.u32 $0x3, v0;
	v2 =	vsel vm1, $0xFFFFFFFF, v2  }
0x3b: {  	v0 =	vsel vm1, $0xFFFFFFFF, v0;
	v3 =	vshll.u32 v2, $0x2  }
0x3c: {  	v4 =	vand.u32 $0xFFFFE000, v0;
	v0 =	vshll.u32 v0, $0x7;
	v3 =	vand.u32 $0xFFFFFE00, v3  }
0x3d: {  	v0 =	vand.u32 $0x180, v0;
	v3 =	vadd.s32 v4, v3  }
0x3e: {  	v2 =	vand.u32 $0x7F, v2;
	v4 =	vshrl.u32 v1, $0x2;
	v0 =	vor.u32 v0, v3  }
0x3f: {  	vm1 =	veq.s32 v1, $0x80000000;
	v4 =	vand.u32 $0x7FF, v4;
	v0 =	vor.u32 v2, v0  }
0x40: {  	s15 =	sadd.s32 $0x10, s15;
	v1 =	vand.u32 $0x3, v1;
	v3 =	vsel vm1, $0xFFFFFFFF, v4  }
0x41: {  	s14 =	sor.u32 $0x140, s14;
	v2 =	vsel vm1, $0xFFFFFFFF, v1;
	v1 =	vld.msk [tilespmem:s15+$0x0 ss:$0x1], $0xffff;
	v4 =	vshll.u32 v3, $0x2  }
0x42: {  	s17 =	simm.s32 $0x30;
	s16 =	smov.u32 s14;
	v5 =	vshll.u32 v2, $0x7;
	v6 =	vand.u32 $0xFFFFE000, v2;
	v4 =	vand.u32 $0xFFFFFE00, v4  }
0x43: {  	s18 =	sadd.s32 $0x10, s15;
	(ifvalue) =	ssetifvalue $0x7FFFFFFF;
	s15 =	sadd.s32 $0x10, s14;
	v2 =	vand.u32 $0x7F, v3;
	v3 =	vadd.s32 v6, v4;
	v4 =	vand.u32 $0x180, v5  }
.LBB2_3:
0x44: {  	[tilespmem:s16], [sflag:$0x1] =	stream.indirect_vreg.gather [hbm4b:s2+s10], $0x1, v0, vm0, $0x4038;
	[tilespmem:$0x280] =	vst v63  }
0x45: {  	s17 =	sadd.s32 $0x10, s17  }
0x46: {  	v5 =	vand.u32 $0x3, v1;
	v6 =	vshrl.u32 v1, $0x2;
	v3 =	vor.u32 v4, v3;
	v0 =	vmovc v1;
	v1 =	vld.msk [tilespmem:s18+$0x0 ss:$0x1], $0xffff;
	p0 =	slt.u32 s17, $0x90  }
.Ltmp3:
0x47: {  	s16 =	smov.u32 s15;
	vm1 =	veq.s32 v0, $0x80000000;
	v4 =	vand.u32 $0x7FF, v6;
	v0 =	vor.u32 v2, v3;
	(pc) =	sbr.rel @p0 .LBB2_3-.Ltmp3, $4  }
0x48: {  	v3 =	vsel vm1, $0xFFFFFFFF, v5;
	v4 =	vsel vm1, $0xFFFFFFFF, v4  }
0x49: {  	v2 =	vand.u32 $0x7F, v4;
	v4 =	vshll.u32 v4, $0x2;
	v5 =	vshll.u32 v3, $0x7  }
0x4a: {  	v3 =	vand.u32 $0xFFFFE000, v3;
	v4 =	vand.u32 $0xFFFFFE00, v4  }
0x4b: {  	s18 =	sadd.s32 $0x10, s18;
	s15 =	sadd.s32 $0x10, s15;
	v3 =	vadd.s32 v3, v4;
	v4 =	vand.u32 $0x180, v5;
	(ifvalue) =	ssetifvalue $0x7FFFFFFF  }
.Ltmp4:
0x4c: {  	_ = 	snop;
	(pc) =	sbr.rel .LBB2_4-.Ltmp4, $1  }
0x4d: {  	_ =	sdelay $0x3  }
.LBB2_6:
0x4e: {  	_ =	sfence.sel $0x180000  }
0x4f: {  	s2 =	simm.s32 $0x2;
	[bflag:$0x0] =	sbarrier.arrive $0xFFFF  }
0x50: {  	s30 =	simm.s32 $0x3;
	[sflag:s2] =	ssyncpa.u1 $0x1  }
0x51: {  	s31 =	simm.s32 $0x1;
	[sflag:s30] =	ssyncpa.u1 $0x1  }
0x52: {  	[sflag:s31] =	ssyncpa.u1 $0x1  }
0x53: {  	p0 =	sne.s32 s0, $0x0;
	_ =	strace $0x90000059  }
0x54: {  	s0 =	sadd.s32 @!p0 $0x100000, s1;
	[bflag:$0x2] =	sbarrier.arrive $0xFFFF  }
0x55: {  	[sflag:s0] =	ssyncadd.tile.s32 @!p0 $0x1;
	_ =	shalt  }
.Lfunc_end2:
_tile_overlayer_lowered:
.L_overlay_start_2:
0x56: {  	(tag) =	ssettag $0x2  }
0x57: {  	s0 =	rddreg [dreg:$0x0];
	s2 =	stileid.u32  }
0x58: {  	s1 =	rddreg [dreg:$0x1];
	p0 =	sne.s32 s2, $0x0  }
0x59: {  	s3 =	rddreg [dreg:$0x2];
	[bflag:$0x3] =	sbarrier.arrive $0xFFFF;
	s2 =	simm.s32 @!p0 $0x1C01  }
0x5a: {  	[timem:s3], [sflag:s2] =	dma.local @!p0 [hbm:s0], s1  }
0x5b: {  	s0 =	simm.s32 @!p0 $0x1  }
0x5c: {  	_ =	swait.ge @!p0 [sflag:s0], s1  }
0x5d: {  	s1 =	ssub.s32 @!p0 $0x0, s1;
	[sflag:s0] =	ssyncset.done @!p0 $0x0  }
0x5e: {  	[sflag:s0] =	ssyncadd.s32 @!p0 s1  }
0x5f: {  	[bflag:$0x3] =	sbarrier.arrive $0xFFFF  }
0x60: {  	_ =	shalt  }

// kernel: gather_offload_async_start.4
scs
__scs_entry_jumppad:
0x0: {  	(pc) =	sbr.rel $0x88, $3  }
0x1: {  	(tag) =	ssettag $0x0;
	lr =	simm.s32 $0x1  }
0x2: {  	[smem:$0x3F9E] =	sst lr;
	_ =	strace $0xD0000000  }
0x3: {  	_ = 	snop  }
0x4: {  	_ = 	snop  }
0x5: {  	_ = 	snop  }
0x6: {  	_ = 	snop  }
0x7: {  	_ = 	snop  }
__scs_overlays_trampoline_lowered:
0x8: {  	[smem:$0x3FAD] =	sst s0  }
0x9: {  	[smem:$0x3FAE] =	sst s1  }
0xa: {  	[smem:$0x3FAF] =	sst s2  }
0xb: {  	[smem:$0x3FB0] =	sst s3  }
0xc: {  	[smem:$0x3FB1] =	sst s4  }
0xd: {  	[smem:$0x3FB2] =	sst s5  }
0xe: {  	[smem:$0x3FB3] =	sst s6  }
0xf: {  	[smem:$0x3FB4] =	sst s7  }
0x10: {  	[smem:$0x3FB5] =	sst s8  }
0x11: {  	[smem:$0x3FB6] =	sst s9;
	s0 =	simm.s32 @!p0 $0x0  }
0x12: {  	s1 =	sld [smem:$0x3F9C];
	s0 =	simm.s32 @p0 $0x1  }
0x13: {  	[smem:$0x3FB7] =	sst s0;
	s0 =	simm.s32 @!p1 $0x0  }
0x14: {  	s2 =	sld [smem:$0x3F9B];
	s0 =	simm.s32 @p1 $0x1  }
0x15: {  	[smem:$0x3FB8] =	sst s0;
	s0 =	simm.s32 @!p2 $0x0  }
0x16: {  	s3 =	sld [smem:$0x3FDB];
	s0 =	simm.s32 @p2 $0x1  }
0x17: {  	s4 =	simm.s32 $0x1BF5;
	[smem:$0x3FBA] =	sst s0  }
0x18: {  	s0 =	sld [smem:$0x3F9D];
	_ =	swait.ge [sflag:s4], $0x0  }
0x19: {  	s7 =	sld [smem:$0x3F9E]  }
0x1a: {  	s8 =	sadd.s32 $0xFFFFE003, lr  }
0x1b: {  	s9 =	sadd.s32 $0xFFFFFEF7, lr;
	s5 =	simm.s32 $0xFFFFFFFF;
	p2 =	slt.u32 s8, $0xFFFFF086  }
0x1c: {  	p1 =	slt.u32 s9, $0xF7A;
	s5 =	simm.s32 @!p2 $0x0  }
0x1d: {  	s5 =	simm.s32 @p1 $0x1;
	p0 =	seq.s32 s7, s2  }
0x1e: {  	s7 =	smul.u32 @!p0 $0xF7A, s2;
	p2 =	seq.s32 @!p0 s5, $0x0  }
0x1f: {  	s9 =	smul.u32 $0xF7A, s1;
	s8 =	simm.s32 @!p0 $0x1BF5;
	p2 =	por !p2, p0  }
0x20: {  	[sflag:s8] =	ssyncset.s32 @!p0 $0xFFFFF086;
	s6 =	sadd.s32 @!p0 s3, s7;
	s7 =	simm.s32 @!p0 $0x108  }
0x21: {  	s3 =	sadd.s32 s3, s9;
	s6 =	sadd.s32 @!p0 $0x88, s6;
	s7 =	simm.s32 @p2 $0x1082  }
0x22: {  	[simem:s7], [sflag:s8] =	dma.local @!p0 [hbm:s6], $0xF7A  }
0x23: {  	s9 =	sor.u32 $0xD0000000, s2;
	s6 =	simm.s32 $0x108;
	_ =	swait.ge @!p0 [sflag:s8], $0x0  }
0x24: {  	s3 =	sadd.s32 $0x88, s3;
	s6 =	simm.s32 @!p1 $0x1082;
	[sflag:s4] =	ssyncset.s32 $0xFFFFF086  }
0x25: {  	[simem:s6], [sflag:s4] =	dma.local [hbm:s3], $0xF7A  }
0x26: {  	[smem:$0x3F9E] =	sst s1;
	(tag) =	ssettag s2;
	_ =	strace s9  }
0x27: {  	s1 =	sld [smem:$0x3FAE]  }
0x28: {  	s2 =	sld [smem:$0x3FAF]  }
0x29: {  	s4 =	sld [smem:$0x3FB1]  }
0x2a: {  	p0 =	seq.s32 s5, $0x0;
	s5 =	sld [smem:$0x3FB2]  }
0x2b: {  	s6 =	sld [smem:$0x3FB3]  }
0x2c: {  	s7 =	sld [smem:$0x3FB4]  }
0x2d: {  	s3 =	simm.s32 $0x108;
	s8 =	sld [smem:$0x3FB5]  }
0x2e: {  	s3 =	simm.s32 @!p0 $0x1082;
	s9 =	sld [smem:$0x3FB6]  }
0x2f: {  	lr =	sadd.s32 s0, s3;
	s0 =	sld [smem:$0x3FAD]  }
0x30: {  	s3 =	sld [smem:$0x3FB0]  }
0x31: {  	[smem:$0x3FB9] =	sst s10  }
0x32: {  	s10 =	sld [smem:$0x3FB7];
	_ =	sdelay $0x3  }
0x33: {  	p0 =	seq.s32 s10, $0x1;
	s10 =	sld [smem:$0x3FB9];
	_ =	sdelay $0x3  }
0x34: {  	[smem:$0x3FB9] =	sst s10  }
0x35: {  	s10 =	sld [smem:$0x3FB8];
	_ =	sdelay $0x3  }
0x36: {  	p1 =	seq.s32 s10, $0x1;
	s10 =	sld [smem:$0x3FB9];
	_ =	sdelay $0x3  }
0x37: {  	[smem:$0x3FB9] =	sst s10  }
0x38: {  	s10 =	sld [smem:$0x3FBA]  }
0x39: {  	_ = 	snop;
	(pc) =	sbr.ind lr, $3  }
0x3a: {  	_ = 	snop  }
0x3b: {  	_ = 	snop  }
0x3c: {  	p2 =	seq.s32 s10, $0x1;
	s10 =	sld [smem:$0x3FB9]  }
0x3d: {  	_ =	shalt  }
0x3e: {  	_ =	shalt  }
0x3f: {  	_ =	shalt  }
0x40: {  	_ =	shalt  }
0x41: {  	_ =	shalt  }
0x42: {  	_ =	shalt  }
0x43: {  	_ =	shalt  }
0x44: {  	_ =	shalt  }
0x45: {  	_ =	shalt  }
0x46: {  	_ =	shalt  }
0x47: {  	_ =	shalt  }
0x48: {  	_ =	shalt  }
0x49: {  	_ =	shalt  }
0x4a: {  	_ =	shalt  }
0x4b: {  	_ =	shalt  }
0x4c: {  	_ =	shalt  }
0x4d: {  	_ =	shalt  }
0x4e: {  	_ =	shalt  }
0x4f: {  	_ =	shalt  }
0x50: {  	_ =	shalt  }
0x51: {  	_ =	shalt  }
0x52: {  	_ =	shalt  }
0x53: {  	_ =	shalt  }
0x54: {  	_ =	shalt  }
0x55: {  	_ =	shalt  }
0x56: {  	_ =	shalt  }
0x57: {  	_ =	shalt  }
0x58: {  	_ =	shalt  }
0x59: {  	_ =	shalt  }
0x5a: {  	_ =	shalt  }
0x5b: {  	_ =	shalt  }
0x5c: {  	_ =	shalt  }
0x5d: {  	_ =	shalt  }
0x5e: {  	_ =	shalt  }
0x5f: {  	_ =	shalt  }
0x60: {  	_ =	shalt  }
0x61: {  	_ =	shalt  }
0x62: {  	_ =	shalt  }
0x63: {  	_ =	shalt  }
0x64: {  	_ =	shalt  }
0x65: {  	_ =	shalt  }
0x66: {  	_ =	shalt  }
0x67: {  	_ =	shalt  }
0x68: {  	_ =	shalt  }
0x69: {  	_ =	shalt  }
0x6a: {  	_ =	shalt  }
0x6b: {  	_ =	shalt  }
0x6c: {  	_ =	shalt  }
0x6d: {  	_ =	shalt  }
0x6e: {  	_ =	shalt  }
0x6f: {  	_ =	shalt  }
0x70: {  	_ =	shalt  }
0x71: {  	_ =	shalt  }
0x72: {  	_ =	shalt  }
0x73: {  	_ =	shalt  }
0x74: {  	_ =	shalt  }
0x75: {  	_ =	shalt  }
0x76: {  	_ =	shalt  }
0x77: {  	_ =	shalt  }
0x78: {  	_ =	shalt  }
0x79: {  	_ =	shalt  }
0x7a: {  	_ =	shalt  }
0x7b: {  	_ =	shalt  }
0x7c: {  	_ =	shalt  }
0x7d: {  	_ =	shalt  }
0x7e: {  	_ =	shalt  }
0x7f: {  	_ =	shalt  }
0x80: {  	_ =	shalt  }
0x81: {  	_ =	shalt  }
0x82: {  	_ =	shalt  }
0x83: {  	_ =	shalt  }
0x84: {  	_ =	shalt  }
0x85: {  	_ =	shalt  }
0x86: {  	_ =	shalt  }
0x87: {  	_ =	shalt  }
.Lfunc_end0:
.L_simem_size_0:
called_computation.4_lowered:
.L_overlay_start_0:
0x88: {  	s2 =	sld [smem:$0x3FD9]  }
0x89: {  	s3 =	sld [smem:$0x3FFE];
	_ =	sdelay $0x1  }
0x8a: {  	s1 =	srdreg.scid  }
0x8b: {  	s0 =	sand.u32 $0x1, s1  }
0x8c: {  	s16 =	sshll.u32 s0, $0xA;
	s2 =	sadd.s32 s3, s2  }
0x8d: {  	s2 =	sadd.s32 s2, s16  }
0x8e: {  	[smem:$0x3FC5] =	sst s2  }
0x8f: {  	_ = 	snop  }
0x90: {  	(tm) =	ssettm $0x1  }
0x91: {  	s17 =	sld [smem:$0x3FFB];
	_ =	sdelay $0x3  }
0x92: {  	_ =	strace s17  }
0x93: {  	s2 =	sld [smem:$0x3FFC];
	_ =	sdelay $0x3  }
0x94: {  	_ =	strace s2  }
0x95: {  	s2 =	sld [smem:$0x3FFD];
	_ =	sdelay $0x3  }
0x96: {  	_ =	strace s2  }
0x97: {  	_ =	strace $0x8FFFFFFF  }
0x98: {  	s18 =	sld [smem:$0x3FDB];
	_ =	sdelay $0x1  }
0x99: {  	s19 =	simm.s32 $_scs_section_size  }
0x9a: {  	s4 =	simm.s32 $_size__tile_overlayer_lowered;
	s5 =	simm.s32 $_tile_overlayer_lowered  }
0x9b: {  	s22 =	simm.s32 $0x1BFF;
	s21 =	sshll.u32 s5, $0x1;
	s2 =	sadd.s32 s19, s18  }
0x9c: {  	s6 =	simm.s32 $0x0;
	s20 =	sshll.u32 s4, $0x1;
	s4 =	sadd.s32 s21, s2  }
0x9d: {  	[timem:s6], [sflag:s22] =	dma.local [hbm:s4], s20  }
0x9e: {  	_ =	swait.ge [sflag:s22], s20  }
0x9f: {  	s3 =	ssub.s32 $0x0, s20;
	[sflag:s22] =	ssyncset.done $0x0  }
0xa0: {  	[sflag:s22] =	ssyncadd.s32 s3;
	_ =	sdelay $0x1  }
0xa1: {  	s23 =	simm.s32 $0x1B8B  }
0xa2: {  	_ =	swait.ge [sflag:s23], $0x1  }
0xa3: {  	[sflag:s23] =	ssyncset.done $0x0  }
0xa4: {  	s25 =	simm.s32 $0x1B8E;
	s24 =	sld [smem:$0x3FFE];
	[sflag:s23] =	ssyncadd.s32 $0xFFFFFFFF  }
0xa5: {  	s26 =	simm.s32 $execute0_lowered;
	[smem:$0x3FD2] =	sst s25  }
0xa6: {  	s4 =	sshll.u32 s26, $0x1;
	_ =	strace $0x80000055;
	[dreg:$0x1] =	wrdreg $0xFFFFFFFF  }
0xa7: {  	s28 =	simm.s32 $_size_execute0_lowered;
	s2 =	sadd.s32 s2, s4;
	[dreg:$0x0] =	wrdreg $0x0  }
0xa8: {  	s4 =	sshll.u32 s28, $0x1;
	[dreg:$0x2] =	wrdreg s2  }
0xa9: {  	[dreg:$0x3] =	wrdreg s4  }
0xaa: {  	[dreg:$0x4] =	wrdreg $0xC0  }
0xab: {  	_ =	task [dreg:s6], $0x5FFFF  }
0xac: {  	[dreg:$0x1] =	wrdreg $0xFFFFFFFF  }
0xad: {  	[dreg:$0x0] =	wrdreg $0x60  }
0xae: {  	[dreg:$0x2] =	wrdreg s24  }
0xaf: {  	[dreg:$0x3] =	wrdreg $0xA  }
0xb0: {  	_ =	task.clear_ibuf [dreg:s6], $0x4FFFF;
	_ =	strace $0x90000055  }
0xb1: {  	s29 =	simm.s32 $0xA;
	_ =	strace $0x80000057  }
0xb2: {  	_ =	swait.ge [sflag:s29], $0x1  }
0xb3: {  	[sflag:s29] =	ssyncadd.s32 $0xFFFFFFFF  }
0xb4: {  	_ =	strace $0x90000057  }
0xb5: {  	_ =	sfence  }
0xb6: {  	s30 =	sld [smem:$0x0];
	_ =	sdelay $0x2  }
0xb7: {  	s31 =	sshll.u32 s1, $0xD;
	s1 =	sshrl.u32 s1, $0x2  }
0xb8: {  	s3 =	sand.u32 $0x4000, s31;
	s1 =	sadd.s32 s1, s30  }
0xb9: {  	s0 =	sor.u32 s3, s0;
	s1 =	sshll.u32 s1, $0x11  }
0xba: {  	s0 =	sor.u32 s1, s0  }
0xbb: {  	s0 =	sadd.s32 $0x8F2B, s0  }
0xbc: {  	[sflag:s0] =	ssyncadd.remote.s32 $0x1  }
0xbd: {  	_ =	sfence.sel $0xFFFF  }
0xbe: {  	[dreg:$0x0] =	wrdreg $0xFFFFFFFF;
	(pc) =	sbr.abs _section_cstart, $3  }
0xbf: {  	[dreg:$0x1] =	wrdreg $0xFFFFFFFF  }
0xc0: {  	_ =	task.clear_ibuf [dreg:s6], $0x2FFFF;
	_ =	strace $0x9FFFFFFF  }
0xc1: {  	(tm) =	ssettm $0x7FFFFFFF  }
tec
execute0_lowered:
.L_overlay_start_1:
0x0: {  	(tag) =	ssettag $0x1  }
0x1: {  	s8 =	rddreg [dreg:$0x0];
	s1 =	stileid.u32  }
0x2: {  	s2 =	srdreg.scid;
	s0 =	rddreg [dreg:$0x1]  }
0x3: {  	_ =	strace $0x80000056;
	s5 =	simm.s32 $0x1;
	s9 =	simm.s32 $0x1  }
0x4: {  	s10 =	simm.s32 $0x3;
	s2 =	sand.u32 $0x1, s2;
	s3 =	sshll.u32 s1, $0x1  }
0x5: {  	s13 =	simm.s32 $0x0;
	s12 =	simm.s32 $0x0;
	s6 =	sor.u32 s3, s2  }
0x6: {  	[sflag:s5] =	ssyncpa.u1 $0x0;
	s2 =	sadd.s32 $0x400, s8;
	s4 =	smul.u32 $0xA0, s6  }
0x7: {  	s3 =	sadd.s32 $0x1000, s8;
	p0 =	slt.u32 s6, $0x13;
	s6 =	simm.s32 $0x1400  }
.Ltmp0:
0x8: {  	s6 =	simm.s32 @!p0 $0x0;
	s7 =	ssub.s32 $0x1F40, s4;
	(pc) =	sbr.rel .LBB2_1-.Ltmp0, $4  }
0x9: {  	s9 =	simm.s32 @!p0 $0x0;
	p0 =	sne.s32 s7, s6;
	s7 =	simm.s32 $0x1  }
0xa: {  	s8 =	sadd.s32 $0x800, s8;
	s6 =	simm.s32 $0x2;
	s7 =	simm.s32 @!p0 $0x0  }
0xb: {  	s11 =	smov.u32 s4;
	[sflag:s6] =	ssyncpa.u1 $0x0;
	s7 =	sadd.s32 s9, s7  }
0xc: {  	vm0 =	vmmov $0xffff;
	[sflag:s10] =	ssyncpa.u1 $0x0;
	s10 =	simm.s32 $0x0;
	s9 =	sadd.s32 $0x1, s7  }
.LBB2_4:
0xd: {  	v5 =	vld.msk [tilespmem:s18+$0x0 ss:$0x1], $0xffff  }
0xe: {  	v6 =	vand.u32 $0x3, v1;
	v7 =	vshrl.u32 v1, $0x2  }
0xf: {  	v3 =	vor.u32 v4, v3;
	vm1 =	veq.s32 v1, $0x80000000;
	v53 =	vand.u32 $0x7FF, v7  }
0x10: {  	v2 =	vor.u32 v2, v3;
	v54 =	vsel vm1, $0xFFFFFFFF, v6;
	v1 =	vsel vm1, $0xFFFFFFFF, v53  }
0x11: {  	v6 =	vshll.u32 v54, $0x7;
	v3 =	vand.u32 $0xFFFFE000, v54;
	v55 =	vand.u32 $0x7F, v1  }
0x12: {  	v1 =	vshll.u32 v1, $0x2;
	v6 =	vand.u32 $0x180, v6;
	v56 =	vshrl.u32 v5, $0x2  }
0x13: {  	v1 =	vand.u32 $0xFFFFFE00, v1;
	vm1 =	veq.s32 v5, $0x80000000;
	v57 =	vand.u32 $0x7FF, v56  }
0x14: {  	v1 =	vadd.s32 v3, v1;
	v5 =	vand.u32 $0x3, v5;
	v3 =	vsel vm1, $0xFFFFFFFF, v57  }
0x15: {  	v1 =	vor.u32 v6, v1;
	v5 =	vsel vm1, $0xFFFFFFFF, v5;
	v58 =	vshll.u32 v3, $0x2  }
0x16: {  	v59 =	vshll.u32 v5, $0x7;
	v5 =	vand.u32 $0xFFFFE000, v5;
	v6 =	vand.u32 $0xFFFFFE00, v58  }
0x17: {  	v1 =	vor.u32 v55, v1;
	v61 =	vand.u32 $0x180, v59;
	v60 =	vadd.s32 v5, v6  }
0x18: {  	[tilespmem:s16], [sflag:$0x1] =	stream.indirect_vreg.gather [hbm4b:s2+s10], $0x1, v0, vm0, $0x4038;
	v62 =	vand.u32 $0x7F, v3;
	v63 =	vor.u32 v61, v60;
	[tilespmem:$0x280] =	vst v63  }
0x19: {  	(ifvalue) =	ssetifvalue $0x7FFFFFFF;
	v0 =	vor.u32 v62, v63  }
0x1a: {  	[tilespmem:s15], [sflag:$0x1] =	stream.indirect_vreg.gather [hbm4b:s2+s10], $0x1, v2, vm0, $0x4038;
	[tilespmem:$0x280] =	vst v63  }
0x1b: {  	s29 =	sadd.s32 $0x10, s15;
	(ifvalue) =	ssetifvalue $0x7FFFFFFF  }
0x1c: {  	[tilespmem:s29], [sflag:$0x1] =	stream.indirect_vreg.gather [hbm4b:s2+s10], $0x1, v1, vm0, $0x4038;
	[tilespmem:$0x280] =	vst v63  }
0x1d: {  	s15 =	sadd.s32 $0x10, s29;
	(ifvalue) =	ssetifvalue $0x7FFFFFFF  }
0x1e: {  	[tilespmem:s15], [sflag:$0x1] =	stream.indirect_vreg.gather [hbm4b:s2+s10], $0x1, v0, vm0, $0x4038;
	[tilespmem:$0x280] =	vst v63  }
0x1f: {  	_ =	swait.ge [sflag:s5], $0xA0  }
0x20: {  	s30 =	sshrl.u32 s13, $0x3;
	[sflag:s5] =	ssyncset.done $0x0  }
0x21: {  	s31 =	sand.u32 $0x7, s13;
	s15 =	sadd.s32 s8, s30;
	[sflag:s5] =	ssyncadd.s32 $0xFFFFFF60  }
0x22: {  	[hbm4b:s15+s31] =	stream.linear.scatter [tilespmem:s14], [sflag:$0x3], $0xA0, $0x38;
	[tilespmem:$0x280] =	vst v63  }
.LBB2_5:
0x23: {  	s15 =	sadd.s32 $0x1400, s11  }
0x24: {  	p1 =	sgt.s32 s15, $0x1F3F  }
0x25: {  	s15 =	smov.u32 @p1 s4;
	p1 =	sne.s32 s12, s9  }
.Ltmp1:
0x26: {  	p0 =	slt.u32 s12, $0x2;
	(pc) =	sbr.rel @!p1 .LBB2_6-.Ltmp1, $4  }
0x27: {  	s14 =	simm.s32 @!p0 $0x3  }
0x28: {  	_ =	swait.ge @!p0 [sflag:s14], $0xA0  }
0x29: {  	s16 =	sadd.s32 $0x1, s12;
	s13 =	smov.u32 s11;
	[sflag:s14] =	ssyncset.done @!p0 $0x0  }
0x2a: {  	s12 =	smov.u32 s16;
	s11 =	smov.u32 s15;
	[sflag:s14] =	ssyncadd.s32 @!p0 $0xFFFFFF60  }
.LBB2_1:
0x2b: {  	p0 =	sge.u32 s12, s7  }
0x2c: {  	s14 =	sxor.u32 @!p0 $0x1, s12  }
0x2d: {  	s14 =	smul.u32 @!p0 $0x280, s14  }
0x2e: {  	s31 =	sadd.s32 $0xFFFFFFFF, s12;
	s15 =	sshrl.u32 @!p0 s11, $0x3  }
0x2f: {  	s16 =	sand.u32 @!p0 $0x7, s11;
	s15 =	sadd.s32 @!p0 s3, s15;
	s14 =	sshra.s32 @!p0 s14, $0x2  }
0x30: {  	[tilespmem:s14], [sflag:$0x2] =	stream.linear.gather @!p0 [hbm4b:s15+s16], $0xA0, $0x38;
	[tilespmem:$0x280] =	vst v63  }
0x31: {  	p0 =	sge.u32 s31, s7  }
.Ltmp2:
0x32: {  	_ = 	snop;
	(pc) =	sbr.rel @p0 .LBB2_5-.Ltmp2, $1  }
0x33: {  	_ =	sdelay $0x3  }
0x34: {  	s14 =	sand.u32 $0x1, s12  }
0x35: {  	_ =	swait.ge [sflag:s6], $0xA0;
	p0 =	seq.s32 s14, $0x1;
	s14 =	simm.s32 $0xA0  }
0x36: {  	[sflag:s6] =	ssyncset.done $0x0;
	s14 =	simm.s32 @!p0 $0x0  }
0x37: {  	[sflag:s6] =	ssyncadd.s32 $0xFFFFFF60;
	(ifvalue) =	ssetifvalue $0x7FFFFFFF;
	v0 =	vld.msk [tilespmem:s14+$0x0 ss:$0x1], $0xffff;
	_ =	sdelay $0x4  }
0x38: {  	s15 =	sadd.s32 $0x10, s14;
	v2 =	vshrl.u32 v0, $0x2  }
0x39: {  	v1 =	vld.msk [tilespmem:s15+$0x0 ss:$0x1], $0xffff;
	vm1 =	veq.s32 v0, $0x80000000;
	v2 =	vand.u32 $0x7FF, v2  }
0x3a: {  	v0 =	vand.u32 $0x3, v0;
	v2 =	vsel vm1, $0xFFFFFFFF, v2  }
0x3b: {  	v0 =	vsel vm1, $0xFFFFFFFF, v0;
	v3 =	vshll.u32 v2, $0x2  }
0x3c: {  	v4 =	vand.u32 $0xFFFFE000, v0;
	v0 =	vshll.u32 v0, $0x7;
	v3 =	vand.u32 $0xFFFFFE00, v3  }
0x3d: {  	v0 =	vand.u32 $0x180, v0;
	v3 =	vadd.s32 v4, v3  }
0x3e: {  	v2 =	vand.u32 $0x7F, v2;
	v4 =	vshrl.u32 v1, $0x2;
	v0 =	vor.u32 v0, v3  }
0x3f: {  	vm1 =	veq.s32 v1, $0x80000000;
	v4 =	vand.u32 $0x7FF, v4;
	v0 =	vor.u32 v2, v0  }
0x40: {  	s15 =	sadd.s32 $0x10, s15;
	v1 =	vand.u32 $0x3, v1;
	v3 =	vsel vm1, $0xFFFFFFFF, v4  }
0x41: {  	s14 =	sor.u32 $0x140, s14;
	v2 =	vsel vm1, $0xFFFFFFFF, v1;
	v1 =	vld.msk [tilespmem:s15+$0x0 ss:$0x1], $0xffff;
	v4 =	vshll.u32 v3, $0x2  }
0x42: {  	s17 =	simm.s32 $0x30;
	s16 =	smov.u32 s14;
	v5 =	vshll.u32 v2, $0x7;
	v6 =	vand.u32 $0xFFFFE000, v2;
	v4 =	vand.u32 $0xFFFFFE00, v4  }
0x43: {  	s18 =	sadd.s32 $0x10, s15;
	(ifvalue) =	ssetifvalue $0x7FFFFFFF;
	s15 =	sadd.s32 $0x10, s14;
	v2 =	vand.u32 $0x7F, v3;
	v3 =	vadd.s32 v6, v4;
	v4 =	vand.u32 $0x180, v5  }
.LBB2_3:
0x44: {  	[tilespmem:s16], [sflag:$0x1] =	stream.indirect_vreg.gather [hbm4b:s2+s10], $0x1, v0, vm0, $0x4038;
	[tilespmem:$0x280] =	vst v63  }
0x45: {  	s17 =	sadd.s32 $0x10, s17  }
0x46: {  	v5 =	vand.u32 $0x3, v1;
	v6 =	vshrl.u32 v1, $0x2;
	v3 =	vor.u32 v4, v3;
	v0 =	vmovc v1;
	v1 =	vld.msk [tilespmem:s18+$0x0 ss:$0x1], $0xffff;
	p0 =	slt.u32 s17, $0x90  }
.Ltmp3:
0x47: {  	s16 =	smov.u32 s15;
	vm1 =	veq.s32 v0, $0x80000000;
	v4 =	vand.u32 $0x7FF, v6;
	v0 =	vor.u32 v2, v3;
	(pc) =	sbr.rel @p0 .LBB2_3-.Ltmp3, $4  }
0x48: {  	v3 =	vsel vm1, $0xFFFFFFFF, v5;
	v4 =	vsel vm1, $0xFFFFFFFF, v4  }
0x49: {  	v2 =	vand.u32 $0x7F, v4;
	v4 =	vshll.u32 v4, $0x2;
	v5 =	vshll.u32 v3, $0x7  }
0x4a: {  	v3 =	vand.u32 $0xFFFFE000, v3;
	v4 =	vand.u32 $0xFFFFFE00, v4  }
0x4b: {  	s18 =	sadd.s32 $0x10, s18;
	s15 =	sadd.s32 $0x10, s15;
	v3 =	vadd.s32 v3, v4;
	v4 =	vand.u32 $0x180, v5;
	(ifvalue) =	ssetifvalue $0x7FFFFFFF  }
.Ltmp4:
0x4c: {  	_ = 	snop;
	(pc) =	sbr.rel .LBB2_4-.Ltmp4, $1  }
0x4d: {  	_ =	sdelay $0x3  }
.LBB2_6:
0x4e: {  	_ =	sfence.sel $0x180000  }
0x4f: {  	s2 =	simm.s32 $0x2;
	[bflag:$0x0] =	sbarrier.arrive $0xFFFF  }
0x50: {  	s30 =	simm.s32 $0x3;
	[sflag:s2] =	ssyncpa.u1 $0x1  }
0x51: {  	s31 =	simm.s32 $0x1;
	[sflag:s30] =	ssyncpa.u1 $0x1  }
0x52: {  	[sflag:s31] =	ssyncpa.u1 $0x1  }
0x53: {  	p0 =	sne.s32 s1, $0x0;
	_ =	strace $0x90000056  }
0x54: {  	s0 =	sadd.s32 @!p0 $0x100000, s0;
	[bflag:$0x2] =	sbarrier.arrive $0xFFFF  }
0x55: {  	[sflag:s0] =	ssyncadd.tile.s32 @!p0 $0x1;
	_ =	shalt  }
.Lfunc_end2:
_tile_overlayer_lowered:
.L_overlay_start_2:
0x56: {  	(tag) =	ssettag $0x2  }
0x57: {  	s0 =	rddreg [dreg:$0x0];
	s2 =	stileid.u32  }
0x58: {  	s1 =	rddreg [dreg:$0x1];
	p0 =	sne.s32 s2, $0x0  }
0x59: {  	s3 =	rddreg [dreg:$0x2];
	[bflag:$0x3] =	sbarrier.arrive $0xFFFF;
	s2 =	simm.s32 @!p0 $0x1C01  }
0x5a: {  	[timem:s3], [sflag:s2] =	dma.local @!p0 [hbm:s0], s1  }
0x5b: {  	s0 =	simm.s32 @!p0 $0x1  }
0x5c: {  	_ =	swait.ge @!p0 [sflag:s0], s1  }
0x5d: {  	s1 =	ssub.s32 @!p0 $0x0, s1;
	[sflag:s0] =	ssyncset.done @!p0 $0x0  }
0x5e: {  	[sflag:s0] =	ssyncadd.s32 @!p0 s1  }
0x5f: {  	[bflag:$0x3] =	sbarrier.arrive $0xFFFF  }
0x60: {  	_ =	shalt  }

// kernel: gather_offload_async_start.5
scs
__scs_entry_jumppad:
0x0: {  	(pc) =	sbr.rel $0x88, $3  }
0x1: {  	(tag) =	ssettag $0x0;
	lr =	simm.s32 $0x1  }
0x2: {  	[smem:$0x3F9E] =	sst lr;
	_ =	strace $0xD0000000  }
0x3: {  	_ = 	snop  }
0x4: {  	_ = 	snop  }
0x5: {  	_ = 	snop  }
0x6: {  	_ = 	snop  }
0x7: {  	_ = 	snop  }
__scs_overlays_trampoline_lowered:
0x8: {  	[smem:$0x3FAD] =	sst s0  }
0x9: {  	[smem:$0x3FAE] =	sst s1  }
0xa: {  	[smem:$0x3FAF] =	sst s2  }
0xb: {  	[smem:$0x3FB0] =	sst s3  }
0xc: {  	[smem:$0x3FB1] =	sst s4  }
0xd: {  	[smem:$0x3FB2] =	sst s5  }
0xe: {  	[smem:$0x3FB3] =	sst s6  }
0xf: {  	[smem:$0x3FB4] =	sst s7  }
0x10: {  	[smem:$0x3FB5] =	sst s8  }
0x11: {  	[smem:$0x3FB6] =	sst s9;
	s0 =	simm.s32 @!p0 $0x0  }
0x12: {  	s1 =	sld [smem:$0x3F9C];
	s0 =	simm.s32 @p0 $0x1  }
0x13: {  	[smem:$0x3FB7] =	sst s0;
	s0 =	simm.s32 @!p1 $0x0  }
0x14: {  	s2 =	sld [smem:$0x3F9B];
	s0 =	simm.s32 @p1 $0x1  }
0x15: {  	[smem:$0x3FB8] =	sst s0;
	s0 =	simm.s32 @!p2 $0x0  }
0x16: {  	s3 =	sld [smem:$0x3FDB];
	s0 =	simm.s32 @p2 $0x1  }
0x17: {  	s4 =	simm.s32 $0x1BF5;
	[smem:$0x3FBA] =	sst s0  }
0x18: {  	s0 =	sld [smem:$0x3F9D];
	_ =	swait.ge [sflag:s4], $0x0  }
0x19: {  	s7 =	sld [smem:$0x3F9E]  }
0x1a: {  	s8 =	sadd.s32 $0xFFFFE003, lr  }
0x1b: {  	s9 =	sadd.s32 $0xFFFFFEF7, lr;
	s5 =	simm.s32 $0xFFFFFFFF;
	p2 =	slt.u32 s8, $0xFFFFF086  }
0x1c: {  	p1 =	slt.u32 s9, $0xF7A;
	s5 =	simm.s32 @!p2 $0x0  }
0x1d: {  	s5 =	simm.s32 @p1 $0x1;
	p0 =	seq.s32 s7, s2  }
0x1e: {  	s7 =	smul.u32 @!p0 $0xF7A, s2;
	p2 =	seq.s32 @!p0 s5, $0x0  }
0x1f: {  	s9 =	smul.u32 $0xF7A, s1;
	s8 =	simm.s32 @!p0 $0x1BF5;
	p2 =	por !p2, p0  }
0x20: {  	[sflag:s8] =	ssyncset.s32 @!p0 $0xFFFFF086;
	s6 =	sadd.s32 @!p0 s3, s7;
	s7 =	simm.s32 @!p0 $0x108  }
0x21: {  	s3 =	sadd.s32 s3, s9;
	s6 =	sadd.s32 @!p0 $0x88, s6;
	s7 =	simm.s32 @p2 $0x1082  }
0x22: {  	[simem:s7], [sflag:s8] =	dma.local @!p0 [hbm:s6], $0xF7A  }
0x23: {  	s9 =	sor.u32 $0xD0000000, s2;
	s6 =	simm.s32 $0x108;
	_ =	swait.ge @!p0 [sflag:s8], $0x0  }
0x24: {  	s3 =	sadd.s32 $0x88, s3;
	s6 =	simm.s32 @!p1 $0x1082;
	[sflag:s4] =	ssyncset.s32 $0xFFFFF086  }
0x25: {  	[simem:s6], [sflag:s4] =	dma.local [hbm:s3], $0xF7A  }
0x26: {  	[smem:$0x3F9E] =	sst s1;
	(tag) =	ssettag s2;
	_ =	strace s9  }
0x27: {  	s1 =	sld [smem:$0x3FAE]  }
0x28: {  	s2 =	sld [smem:$0x3FAF]  }
0x29: {  	s4 =	sld [smem:$0x3FB1]  }
0x2a: {  	p0 =	seq.s32 s5, $0x0;
	s5 =	sld [smem:$0x3FB2]  }
0x2b: {  	s6 =	sld [smem:$0x3FB3]  }
0x2c: {  	s7 =	sld [smem:$0x3FB4]  }
0x2d: {  	s3 =	simm.s32 $0x108;
	s8 =	sld [smem:$0x3FB5]  }
0x2e: {  	s3 =	simm.s32 @!p0 $0x1082;
	s9 =	sld [smem:$0x3FB6]  }
0x2f: {  	lr =	sadd.s32 s0, s3;
	s0 =	sld [smem:$0x3FAD]  }
0x30: {  	s3 =	sld [smem:$0x3FB0]  }
0x31: {  	[smem:$0x3FB9] =	sst s10  }
0x32: {  	s10 =	sld [smem:$0x3FB7];
	_ =	sdelay $0x3  }
0x33: {  	p0 =	seq.s32 s10, $0x1;
	s10 =	sld [smem:$0x3FB9];
	_ =	sdelay $0x3  }
0x34: {  	[smem:$0x3FB9] =	sst s10  }
0x35: {  	s10 =	sld [smem:$0x3FB8];
	_ =	sdelay $0x3  }
0x36: {  	p1 =	seq.s32 s10, $0x1;
	s10 =	sld [smem:$0x3FB9];
	_ =	sdelay $0x3  }
0x37: {  	[smem:$0x3FB9] =	sst s10  }
0x38: {  	s10 =	sld [smem:$0x3FBA]  }
0x39: {  	_ = 	snop;
	(pc) =	sbr.ind lr, $3  }
0x3a: {  	_ = 	snop  }
0x3b: {  	_ = 	snop  }
0x3c: {  	p2 =	seq.s32 s10, $0x1;
	s10 =	sld [smem:$0x3FB9]  }
0x3d: {  	_ =	shalt  }
0x3e: {  	_ =	shalt  }
0x3f: {  	_ =	shalt  }
0x40: {  	_ =	shalt  }
0x41: {  	_ =	shalt  }
0x42: {  	_ =	shalt  }
0x43: {  	_ =	shalt  }
0x44: {  	_ =	shalt  }
0x45: {  	_ =	shalt  }
0x46: {  	_ =	shalt  }
0x47: {  	_ =	shalt  }
0x48: {  	_ =	shalt  }
0x49: {  	_ =	shalt  }
0x4a: {  	_ =	shalt  }
0x4b: {  	_ =	shalt  }
0x4c: {  	_ =	shalt  }
0x4d: {  	_ =	shalt  }
0x4e: {  	_ =	shalt  }
0x4f: {  	_ =	shalt  }
0x50: {  	_ =	shalt  }
0x51: {  	_ =	shalt  }
0x52: {  	_ =	shalt  }
0x53: {  	_ =	shalt  }
0x54: {  	_ =	shalt  }
0x55: {  	_ =	shalt  }
0x56: {  	_ =	shalt  }
0x57: {  	_ =	shalt  }
0x58: {  	_ =	shalt  }
0x59: {  	_ =	shalt  }
0x5a: {  	_ =	shalt  }
0x5b: {  	_ =	shalt  }
0x5c: {  	_ =	shalt  }
0x5d: {  	_ =	shalt  }
0x5e: {  	_ =	shalt  }
0x5f: {  	_ =	shalt  }
0x60: {  	_ =	shalt  }
0x61: {  	_ =	shalt  }
0x62: {  	_ =	shalt  }
0x63: {  	_ =	shalt  }
0x64: {  	_ =	shalt  }
0x65: {  	_ =	shalt  }
0x66: {  	_ =	shalt  }
0x67: {  	_ =	shalt  }
0x68: {  	_ =	shalt  }
0x69: {  	_ =	shalt  }
0x6a: {  	_ =	shalt  }
0x6b: {  	_ =	shalt  }
0x6c: {  	_ =	shalt  }
0x6d: {  	_ =	shalt  }
0x6e: {  	_ =	shalt  }
0x6f: {  	_ =	shalt  }
0x70: {  	_ =	shalt  }
0x71: {  	_ =	shalt  }
0x72: {  	_ =	shalt  }
0x73: {  	_ =	shalt  }
0x74: {  	_ =	shalt  }
0x75: {  	_ =	shalt  }
0x76: {  	_ =	shalt  }
0x77: {  	_ =	shalt  }
0x78: {  	_ =	shalt  }
0x79: {  	_ =	shalt  }
0x7a: {  	_ =	shalt  }
0x7b: {  	_ =	shalt  }
0x7c: {  	_ =	shalt  }
0x7d: {  	_ =	shalt  }
0x7e: {  	_ =	shalt  }
0x7f: {  	_ =	shalt  }
0x80: {  	_ =	shalt  }
0x81: {  	_ =	shalt  }
0x82: {  	_ =	shalt  }
0x83: {  	_ =	shalt  }
0x84: {  	_ =	shalt  }
0x85: {  	_ =	shalt  }
0x86: {  	_ =	shalt  }
0x87: {  	_ =	shalt  }
.Lfunc_end0:
.L_simem_size_0:
called_computation.5_lowered:
.L_overlay_start_0:
0x88: {  	s2 =	sld [smem:$0x3FD9]  }
0x89: {  	s3 =	sld [smem:$0x3FFE];
	_ =	sdelay $0x1  }
0x8a: {  	s1 =	srdreg.scid  }
0x8b: {  	s0 =	sand.u32 $0x1, s1  }
0x8c: {  	s17 =	sshll.u32 s0, $0xA;
	s2 =	sadd.s32 s3, s2  }
0x8d: {  	s2 =	sadd.s32 s2, s17  }
0x8e: {  	[smem:$0x3FC5] =	sst s2  }
0x8f: {  	_ = 	snop  }
0x90: {  	s18 =	sld [smem:$0x3FD0];
	(tm) =	ssettm $0x1  }
0x91: {  	s19 =	sld [smem:$0x3FFB];
	_ =	sdelay $0x3  }
0x92: {  	_ =	strace s19  }
0x93: {  	s2 =	sld [smem:$0x3FFC];
	_ =	sdelay $0x3  }
0x94: {  	_ =	strace s2  }
0x95: {  	s2 =	sld [smem:$0x3FFD];
	_ =	sdelay $0x3  }
0x96: {  	_ =	strace s2  }
0x97: {  	_ =	strace $0x8FFFFFFF  }
0x98: {  	s20 =	sld [smem:$0x3FDB];
	_ =	sdelay $0x1  }
0x99: {  	s4 =	simm.s32 $_scs_section_size  }
0x9a: {  	s5 =	simm.s32 $_size__tile_overlayer_lowered;
	s6 =	simm.s32 $_tile_overlayer_lowered  }
0x9b: {  	s7 =	simm.s32 $0x1BFF;
	s21 =	sshll.u32 s6, $0x1;
	s4 =	sadd.s32 s4, s20  }
0x9c: {  	s22 =	simm.s32 $0x0;
	s5 =	sshll.u32 s5, $0x1;
	s6 =	sadd.s32 s21, s4  }
0x9d: {  	[timem:s22], [sflag:s7] =	dma.local [hbm:s6], s5  }
0x9e: {  	_ =	swait.ge [sflag:s7], s5  }
0x9f: {  	s5 =	ssub.s32 $0x0, s5;
	[sflag:s7] =	ssyncset.done $0x0  }
0xa0: {  	[sflag:s7] =	ssyncadd.s32 s5;
	_ =	sdelay $0x1  }
0xa1: {  	s23 =	simm.s32 $0x1B8B  }
0xa2: {  	_ =	swait.ge [sflag:s23], $0x1  }
0xa3: {  	[sflag:s23] =	ssyncset.done $0x0  }
0xa4: {  	[sflag:s23] =	ssyncadd.s32 $0xFFFFFFFF  }
0xa5: {  	s5 =	sld [smem:$0x0]  }
0xa6: {  	s6 =	sand.u32 $0xFFFFFFFE, s1  }
0xa7: {  	p0 =	sne.s32 s1, s6  }
0xa8: {  	s6 =	sshll.u32 @p0 s6, $0xE  }
0xa9: {  	s6 =	sadd.s32 @p0 $0x11B8D, s6;
	s7 =	sshll.u32 @p0 s5, $0x11  }
0xaa: {  	s6 =	sor.u32 @p0 s7, s6  }
0xab: {  	[sflag:s6] =	ssyncadd.remote.s32 @p0 $0x1;
	_ =	sdelay $0x1  }
0xac: {  	s6 =	simm.s32 @p0 $0x1B8D  }
0xad: {  	_ =	swait.eq @p0 [sflag:s6], $0x1  }
0xae: {  	[sflag:s6] =	ssyncadd.s32 @p0 $0xFFFFFFFF  }
0xaf: {  	s7 =	sshll.u32 @!p0 s1, $0xE  }
0xb0: {  	s7 =	sor.u32 @!p0 $0x4000, s7;
	s6 =	simm.s32 @!p0 $0x1B8D  }
0xb1: {  	s5 =	sshll.u32 @!p0 s5, $0x11;
	s7 =	sadd.s32 @!p0 $0x11B8D, s7;
	_ =	swait.eq @!p0 [sflag:s6], $0x1  }
0xb2: {  	s5 =	sor.u32 @!p0 s5, s7;
	[sflag:s6] =	ssyncadd.s32 @!p0 $0xFFFFFFFF  }
0xb3: {  	s25 =	simm.s32 $0x1B8E;
	s24 =	sld [smem:$0x3FFE];
	[sflag:s5] =	ssyncadd.remote.s32 @!p0 $0x1  }
0xb4: {  	s26 =	simm.s32 $execute0_lowered;
	[smem:$0x3FD2] =	sst s25  }
0xb5: {  	s6 =	sshll.u32 s26, $0x1;
	_ =	strace $0x80000052;
	[dreg:$0x1] =	wrdreg $0xFFFFFFFF  }
0xb6: {  	s28 =	simm.s32 $_size_execute0_lowered;
	s4 =	sadd.s32 s4, s6;
	[dreg:$0x0] =	wrdreg $0x0  }
0xb7: {  	s6 =	sshll.u32 s28, $0x1;
	[dreg:$0x2] =	wrdreg s4  }
0xb8: {  	[dreg:$0x3] =	wrdreg s6  }
0xb9: {  	[dreg:$0x4] =	wrdreg $0xC0  }
0xba: {  	_ =	task [dreg:s22], $0x5FFFF  }
0xbb: {  	[dreg:$0x1] =	wrdreg $0xFFFFFFFF  }
0xbc: {  	[dreg:$0x0] =	wrdreg $0x60  }
0xbd: {  	[dreg:$0x2] =	wrdreg s24  }
0xbe: {  	[dreg:$0x3] =	wrdreg s18  }
0xbf: {  	[dreg:$0x4] =	wrdreg $0x9  }
0xc0: {  	_ =	task.clear_ibuf [dreg:s22], $0x5FFFF;
	_ =	strace $0x90000052  }
0xc1: {  	s29 =	simm.s32 $0x9;
	_ =	strace $0x80000054  }
0xc2: {  	_ =	swait.ge [sflag:s29], $0x1  }
0xc3: {  	[sflag:s29] =	ssyncadd.s32 $0xFFFFFFFF  }
0xc4: {  	_ =	strace $0x90000054  }
0xc5: {  	_ =	sfence  }
0xc6: {  	s30 =	sld [smem:$0x0];
	_ =	sdelay $0x2  }
0xc7: {  	s31 =	sshll.u32 s1, $0xD;
	s1 =	sshrl.u32 s1, $0x2  }
0xc8: {  	s4 =	sand.u32 $0x4000, s31;
	s1 =	sadd.s32 s1, s30  }
0xc9: {  	s0 =	sor.u32 s4, s0;
	s1 =	sshll.u32 s1, $0x11  }
0xca: {  	s0 =	sor.u32 s1, s0  }
0xcb: {  	s0 =	sadd.s32 $0x8F2B, s0  }
0xcc: {  	[sflag:s0] =	ssyncadd.remote.s32 $0x1  }
0xcd: {  	_ =	sfence.sel $0xFFFF  }
0xce: {  	[dreg:$0x0] =	wrdreg $0xFFFFFFFF;
	(pc) =	sbr.abs _section_cstart, $3  }
0xcf: {  	[dreg:$0x1] =	wrdreg $0xFFFFFFFF  }
0xd0: {  	_ =	task.clear_ibuf [dreg:s22], $0x2FFFF;
	_ =	strace $0x9FFFFFFF  }
0xd1: {  	(tm) =	ssettm $0x7FFFFFFF  }
tec
execute0_lowered:
.L_overlay_start_1:
0x0: {  	(tag) =	ssettag $0x1  }
0x1: {  	s8 =	rddreg [dreg:$0x0];
	s0 =	stileid.u32  }
0x2: {  	s1 =	srdreg.scid;
	s2 =	rddreg [dreg:$0x1]  }
0x3: {  	s5 =	simm.s32 $0x1;
	s9 =	simm.s32 $0x1;
	s10 =	simm.s32 $0x3  }
0x4: {  	s13 =	simm.s32 $0x0;
	s3 =	sand.u32 $0x1, s1;
	s4 =	sshll.u32 s0, $0x1  }
0x5: {  	s12 =	simm.s32 $0x0;
	s1 =	rddreg [dreg:$0x2];
	s6 =	sor.u32 s4, s3  }
0x6: {  	_ =	strace $0x80000053;
	s3 =	sadd.s32 $0x800, s8;
	s4 =	smul.u32 $0xA0, s6  }
0x7: {  	[sflag:s5] =	ssyncpa.u1 $0x0;
	p0 =	slt.u32 s6, $0x13;
	s6 =	simm.s32 $0x1400  }
.Ltmp0:
0x8: {  	s6 =	simm.s32 @!p0 $0x0;
	s7 =	ssub.s32 $0x1F40, s4;
	(pc) =	sbr.rel .LBB2_1-.Ltmp0, $4  }
0x9: {  	s9 =	simm.s32 @!p0 $0x0;
	p0 =	sne.s32 s7, s6;
	s7 =	simm.s32 $0x1  }
0xa: {  	s8 =	sadd.s32 $0x1000, s8;
	s6 =	simm.s32 $0x2;
	s7 =	simm.s32 @!p0 $0x0  }
0xb: {  	s11 =	smov.u32 s4;
	[sflag:s6] =	ssyncpa.u1 $0x0;
	s7 =	sadd.s32 s9, s7  }
0xc: {  	vm0 =	vmmov $0xffff;
	[sflag:s10] =	ssyncpa.u1 $0x0;
	s10 =	simm.s32 $0x0;
	s9 =	sadd.s32 $0x1, s7  }
.LBB2_4:
0xd: {  	v5 =	vld.msk [tilespmem:s18+$0x0 ss:$0x1], $0xffff  }
0xe: {  	v6 =	vand.u32 $0x3, v1;
	v7 =	vshrl.u32 v1, $0x2  }
0xf: {  	v3 =	vor.u32 v4, v3;
	vm1 =	veq.s32 v1, $0x80000000;
	v53 =	vand.u32 $0x7FF, v7  }
0x10: {  	v2 =	vor.u32 v2, v3;
	v54 =	vsel vm1, $0xFFFFFFFF, v6;
	v1 =	vsel vm1, $0xFFFFFFFF, v53  }
0x11: {  	v6 =	vshll.u32 v54, $0x7;
	v3 =	vand.u32 $0xFFFFE000, v54;
	v55 =	vand.u32 $0x7F, v1  }
0x12: {  	v1 =	vshll.u32 v1, $0x2;
	v6 =	vand.u32 $0x180, v6;
	v56 =	vshrl.u32 v5, $0x2  }
0x13: {  	v1 =	vand.u32 $0xFFFFFE00, v1;
	vm1 =	veq.s32 v5, $0x80000000;
	v57 =	vand.u32 $0x7FF, v56  }
0x14: {  	v1 =	vadd.s32 v3, v1;
	v5 =	vand.u32 $0x3, v5;
	v3 =	vsel vm1, $0xFFFFFFFF, v57  }
0x15: {  	v1 =	vor.u32 v6, v1;
	v5 =	vsel vm1, $0xFFFFFFFF, v5;
	v58 =	vshll.u32 v3, $0x2  }
0x16: {  	v59 =	vshll.u32 v5, $0x7;
	v5 =	vand.u32 $0xFFFFE000, v5;
	v6 =	vand.u32 $0xFFFFFE00, v58  }
0x17: {  	v1 =	vor.u32 v55, v1;
	v61 =	vand.u32 $0x180, v59;
	v60 =	vadd.s32 v5, v6  }
0x18: {  	[tilespmem:s16], [sflag:$0x1] =	stream.indirect_vreg.gather [hbm4b:s3+s10], $0x1, v0, vm0, $0x4038;
	v62 =	vand.u32 $0x7F, v3;
	v63 =	vor.u32 v61, v60;
	[tilespmem:$0x280] =	vst v63  }
0x19: {  	(ifvalue) =	ssetifvalue $0x7FFFFFFF;
	v0 =	vor.u32 v62, v63  }
0x1a: {  	[tilespmem:s15], [sflag:$0x1] =	stream.indirect_vreg.gather [hbm4b:s3+s10], $0x1, v2, vm0, $0x4038;
	[tilespmem:$0x280] =	vst v63  }
0x1b: {  	s29 =	sadd.s32 $0x10, s15;
	(ifvalue) =	ssetifvalue $0x7FFFFFFF  }
0x1c: {  	[tilespmem:s29], [sflag:$0x1] =	stream.indirect_vreg.gather [hbm4b:s3+s10], $0x1, v1, vm0, $0x4038;
	[tilespmem:$0x280] =	vst v63  }
0x1d: {  	s15 =	sadd.s32 $0x10, s29;
	(ifvalue) =	ssetifvalue $0x7FFFFFFF  }
0x1e: {  	[tilespmem:s15], [sflag:$0x1] =	stream.indirect_vreg.gather [hbm4b:s3+s10], $0x1, v0, vm0, $0x4038;
	[tilespmem:$0x280] =	vst v63  }
0x1f: {  	_ =	swait.ge [sflag:s5], $0xA0  }
0x20: {  	s30 =	sshrl.u32 s13, $0x3;
	[sflag:s5] =	ssyncset.done $0x0  }
0x21: {  	s31 =	sand.u32 $0x7, s13;
	s15 =	sadd.s32 s2, s30;
	[sflag:s5] =	ssyncadd.s32 $0xFFFFFF60  }
0x22: {  	[hbm4b:s15+s31] =	stream.linear.scatter [tilespmem:s14], [sflag:$0x3], $0xA0, $0x38;
	[tilespmem:$0x280] =	vst v63  }
.LBB2_5:
0x23: {  	s15 =	sadd.s32 $0x1400, s11  }
0x24: {  	p1 =	sgt.s32 s15, $0x1F3F  }
0x25: {  	s15 =	smov.u32 @p1 s4;
	p1 =	sne.s32 s12, s9  }
.Ltmp1:
0x26: {  	p0 =	slt.u32 s12, $0x2;
	(pc) =	sbr.rel @!p1 .LBB2_6-.Ltmp1, $4  }
0x27: {  	s14 =	simm.s32 @!p0 $0x3  }
0x28: {  	_ =	swait.ge @!p0 [sflag:s14], $0xA0  }
0x29: {  	s16 =	sadd.s32 $0x1, s12;
	s13 =	smov.u32 s11;
	[sflag:s14] =	ssyncset.done @!p0 $0x0  }
0x2a: {  	s12 =	smov.u32 s16;
	s11 =	smov.u32 s15;
	[sflag:s14] =	ssyncadd.s32 @!p0 $0xFFFFFF60  }
.LBB2_1:
0x2b: {  	p0 =	sge.u32 s12, s7  }
0x2c: {  	s14 =	sxor.u32 @!p0 $0x1, s12  }
0x2d: {  	s14 =	smul.u32 @!p0 $0x280, s14  }
0x2e: {  	s31 =	sadd.s32 $0xFFFFFFFF, s12;
	s15 =	sshrl.u32 @!p0 s11, $0x3  }
0x2f: {  	s16 =	sand.u32 @!p0 $0x7, s11;
	s15 =	sadd.s32 @!p0 s8, s15;
	s14 =	sshra.s32 @!p0 s14, $0x2  }
0x30: {  	[tilespmem:s14], [sflag:$0x2] =	stream.linear.gather @!p0 [hbm4b:s15+s16], $0xA0, $0x38;
	[tilespmem:$0x280] =	vst v63  }
0x31: {  	p0 =	sge.u32 s31, s7  }
.Ltmp2:
0x32: {  	_ = 	snop;
	(pc) =	sbr.rel @p0 .LBB2_5-.Ltmp2, $1  }
0x33: {  	_ =	sdelay $0x3  }
0x34: {  	s14 =	sand.u32 $0x1, s12  }
0x35: {  	_ =	swait.ge [sflag:s6], $0xA0;
	p0 =	seq.s32 s14, $0x1;
	s14 =	simm.s32 $0xA0  }
0x36: {  	[sflag:s6] =	ssyncset.done $0x0;
	s14 =	simm.s32 @!p0 $0x0  }
0x37: {  	[sflag:s6] =	ssyncadd.s32 $0xFFFFFF60;
	(ifvalue) =	ssetifvalue $0x7FFFFFFF;
	v0 =	vld.msk [tilespmem:s14+$0x0 ss:$0x1], $0xffff;
	_ =	sdelay $0x4  }
0x38: {  	s15 =	sadd.s32 $0x10, s14;
	v2 =	vshrl.u32 v0, $0x2  }
0x39: {  	v1 =	vld.msk [tilespmem:s15+$0x0 ss:$0x1], $0xffff;
	vm1 =	veq.s32 v0, $0x80000000;
	v2 =	vand.u32 $0x7FF, v2  }
0x3a: {  	v0 =	vand.u32 $0x3, v0;
	v2 =	vsel vm1, $0xFFFFFFFF, v2  }
0x3b: {  	v0 =	vsel vm1, $0xFFFFFFFF, v0;
	v3 =	vshll.u32 v2, $0x2  }
0x3c: {  	v4 =	vand.u32 $0xFFFFE000, v0;
	v0 =	vshll.u32 v0, $0x7;
	v3 =	vand.u32 $0xFFFFFE00, v3  }
0x3d: {  	v0 =	vand.u32 $0x180, v0;
	v3 =	vadd.s32 v4, v3  }
0x3e: {  	v2 =	vand.u32 $0x7F, v2;
	v4 =	vshrl.u32 v1, $0x2;
	v0 =	vor.u32 v0, v3  }
0x3f: {  	vm1 =	veq.s32 v1, $0x80000000;
	v4 =	vand.u32 $0x7FF, v4;
	v0 =	vor.u32 v2, v0  }
0x40: {  	s15 =	sadd.s32 $0x10, s15;
	v1 =	vand.u32 $0x3, v1;
	v3 =	vsel vm1, $0xFFFFFFFF, v4  }
0x41: {  	s14 =	sor.u32 $0x140, s14;
	v2 =	vsel vm1, $0xFFFFFFFF, v1;
	v1 =	vld.msk [tilespmem:s15+$0x0 ss:$0x1], $0xffff;
	v4 =	vshll.u32 v3, $0x2  }
0x42: {  	s17 =	simm.s32 $0x30;
	s16 =	smov.u32 s14;
	v5 =	vshll.u32 v2, $0x7;
	v6 =	vand.u32 $0xFFFFE000, v2;
	v4 =	vand.u32 $0xFFFFFE00, v4  }
0x43: {  	s18 =	sadd.s32 $0x10, s15;
	(ifvalue) =	ssetifvalue $0x7FFFFFFF;
	s15 =	sadd.s32 $0x10, s14;
	v2 =	vand.u32 $0x7F, v3;
	v3 =	vadd.s32 v6, v4;
	v4 =	vand.u32 $0x180, v5  }
.LBB2_3:
0x44: {  	[tilespmem:s16], [sflag:$0x1] =	stream.indirect_vreg.gather [hbm4b:s3+s10], $0x1, v0, vm0, $0x4038;
	[tilespmem:$0x280] =	vst v63  }
0x45: {  	s17 =	sadd.s32 $0x10, s17  }
0x46: {  	v5 =	vand.u32 $0x3, v1;
	v6 =	vshrl.u32 v1, $0x2;
	v3 =	vor.u32 v4, v3;
	v0 =	vmovc v1;
	v1 =	vld.msk [tilespmem:s18+$0x0 ss:$0x1], $0xffff;
	p0 =	slt.u32 s17, $0x90  }
.Ltmp3:
0x47: {  	s16 =	smov.u32 s15;
	vm1 =	veq.s32 v0, $0x80000000;
	v4 =	vand.u32 $0x7FF, v6;
	v0 =	vor.u32 v2, v3;
	(pc) =	sbr.rel @p0 .LBB2_3-.Ltmp3, $4  }
0x48: {  	v3 =	vsel vm1, $0xFFFFFFFF, v5;
	v4 =	vsel vm1, $0xFFFFFFFF, v4  }
0x49: {  	v2 =	vand.u32 $0x7F, v4;
	v4 =	vshll.u32 v4, $0x2;
	v5 =	vshll.u32 v3, $0x7  }
0x4a: {  	v3 =	vand.u32 $0xFFFFE000, v3;
	v4 =	vand.u32 $0xFFFFFE00, v4  }
0x4b: {  	s18 =	sadd.s32 $0x10, s18;
	s15 =	sadd.s32 $0x10, s15;
	v3 =	vadd.s32 v3, v4;
	v4 =	vand.u32 $0x180, v5;
	(ifvalue) =	ssetifvalue $0x7FFFFFFF  }
.Ltmp4:
0x4c: {  	_ = 	snop;
	(pc) =	sbr.rel .LBB2_4-.Ltmp4, $1  }
0x4d: {  	_ =	sdelay $0x3  }
.LBB2_6:
0x4e: {  	_ =	sfence.sel $0x180000  }
0x4f: {  	s2 =	simm.s32 $0x2;
	[bflag:$0x0] =	sbarrier.arrive $0xFFFF  }
0x50: {  	s30 =	simm.s32 $0x3;
	[sflag:s2] =	ssyncpa.u1 $0x1  }
0x51: {  	s31 =	simm.s32 $0x1;
	[sflag:s30] =	ssyncpa.u1 $0x1  }
0x52: {  	[sflag:s31] =	ssyncpa.u1 $0x1  }
0x53: {  	p0 =	sne.s32 s0, $0x0;
	_ =	strace $0x90000053  }
0x54: {  	s0 =	sadd.s32 @!p0 $0x100000, s1;
	[bflag:$0x2] =	sbarrier.arrive $0xFFFF  }
0x55: {  	[sflag:s0] =	ssyncadd.tile.s32 @!p0 $0x1;
	_ =	shalt  }
.Lfunc_end2:
_tile_overlayer_lowered:
.L_overlay_start_2:
0x56: {  	(tag) =	ssettag $0x2  }
0x57: {  	s0 =	rddreg [dreg:$0x0];
	s2 =	stileid.u32  }
0x58: {  	s1 =	rddreg [dreg:$0x1];
	p0 =	sne.s32 s2, $0x0  }
0x59: {  	s3 =	rddreg [dreg:$0x2];
	[bflag:$0x3] =	sbarrier.arrive $0xFFFF;
	s2 =	simm.s32 @!p0 $0x1C01  }
0x5a: {  	[timem:s3], [sflag:s2] =	dma.local @!p0 [hbm:s0], s1  }
0x5b: {  	s0 =	simm.s32 @!p0 $0x1  }
0x5c: {  	_ =	swait.ge @!p0 [sflag:s0], s1  }
0x5d: {  	s1 =	ssub.s32 @!p0 $0x0, s1;
	[sflag:s0] =	ssyncset.done @!p0 $0x0  }
0x5e: {  	[sflag:s0] =	ssyncadd.s32 @!p0 s1  }
0x5f: {  	[bflag:$0x3] =	sbarrier.arrive $0xFFFF  }
0x60: {  	_ =	shalt  }

// kernel: gather_offload_async_start.6
scs
__scs_entry_jumppad:
0x0: {  	(pc) =	sbr.rel $0x88, $3  }
0x1: {  	(tag) =	ssettag $0x0;
	lr =	simm.s32 $0x1  }
0x2: {  	[smem:$0x3F9E] =	sst lr;
	_ =	strace $0xD0000000  }
0x3: {  	_ = 	snop  }
0x4: {  	_ = 	snop  }
0x5: {  	_ = 	snop  }
0x6: {  	_ = 	snop  }
0x7: {  	_ = 	snop  }
__scs_overlays_trampoline_lowered:
0x8: {  	[smem:$0x3FAD] =	sst s0  }
0x9: {  	[smem:$0x3FAE] =	sst s1  }
0xa: {  	[smem:$0x3FAF] =	sst s2  }
0xb: {  	[smem:$0x3FB0] =	sst s3  }
0xc: {  	[smem:$0x3FB1] =	sst s4  }
0xd: {  	[smem:$0x3FB2] =	sst s5  }
0xe: {  	[smem:$0x3FB3] =	sst s6  }
0xf: {  	[smem:$0x3FB4] =	sst s7  }
0x10: {  	[smem:$0x3FB5] =	sst s8  }
0x11: {  	[smem:$0x3FB6] =	sst s9;
	s0 =	simm.s32 @!p0 $0x0  }
0x12: {  	s1 =	sld [smem:$0x3F9C];
	s0 =	simm.s32 @p0 $0x1  }
0x13: {  	[smem:$0x3FB7] =	sst s0;
	s0 =	simm.s32 @!p1 $0x0  }
0x14: {  	s2 =	sld [smem:$0x3F9B];
	s0 =	simm.s32 @p1 $0x1  }
0x15: {  	[smem:$0x3FB8] =	sst s0;
	s0 =	simm.s32 @!p2 $0x0  }
0x16: {  	s3 =	sld [smem:$0x3FDB];
	s0 =	simm.s32 @p2 $0x1  }
0x17: {  	s4 =	simm.s32 $0x1BF5;
	[smem:$0x3FBA] =	sst s0  }
0x18: {  	s0 =	sld [smem:$0x3F9D];
	_ =	swait.ge [sflag:s4], $0x0  }
0x19: {  	s7 =	sld [smem:$0x3F9E]  }
0x1a: {  	s8 =	sadd.s32 $0xFFFFE003, lr  }
0x1b: {  	s9 =	sadd.s32 $0xFFFFFEF7, lr;
	s5 =	simm.s32 $0xFFFFFFFF;
	p2 =	slt.u32 s8, $0xFFFFF086  }
0x1c: {  	p1 =	slt.u32 s9, $0xF7A;
	s5 =	simm.s32 @!p2 $0x0  }
0x1d: {  	s5 =	simm.s32 @p1 $0x1;
	p0 =	seq.s32 s7, s2  }
0x1e: {  	s7 =	smul.u32 @!p0 $0xF7A, s2;
	p2 =	seq.s32 @!p0 s5, $0x0  }
0x1f: {  	s9 =	smul.u32 $0xF7A, s1;
	s8 =	simm.s32 @!p0 $0x1BF5;
	p2 =	por !p2, p0  }
0x20: {  	[sflag:s8] =	ssyncset.s32 @!p0 $0xFFFFF086;
	s6 =	sadd.s32 @!p0 s3, s7;
	s7 =	simm.s32 @!p0 $0x108  }
0x21: {  	s3 =	sadd.s32 s3, s9;
	s6 =	sadd.s32 @!p0 $0x88, s6;
	s7 =	simm.s32 @p2 $0x1082  }
0x22: {  	[simem:s7], [sflag:s8] =	dma.local @!p0 [hbm:s6], $0xF7A  }
0x23: {  	s9 =	sor.u32 $0xD0000000, s2;
	s6 =	simm.s32 $0x108;
	_ =	swait.ge @!p0 [sflag:s8], $0x0  }
0x24: {  	s3 =	sadd.s32 $0x88, s3;
	s6 =	simm.s32 @!p1 $0x1082;
	[sflag:s4] =	ssyncset.s32 $0xFFFFF086  }
0x25: {  	[simem:s6], [sflag:s4] =	dma.local [hbm:s3], $0xF7A  }
0x26: {  	[smem:$0x3F9E] =	sst s1;
	(tag) =	ssettag s2;
	_ =	strace s9  }
0x27: {  	s1 =	sld [smem:$0x3FAE]  }
0x28: {  	s2 =	sld [smem:$0x3FAF]  }
0x29: {  	s4 =	sld [smem:$0x3FB1]  }
0x2a: {  	p0 =	seq.s32 s5, $0x0;
	s5 =	sld [smem:$0x3FB2]  }
0x2b: {  	s6 =	sld [smem:$0x3FB3]  }
0x2c: {  	s7 =	sld [smem:$0x3FB4]  }
0x2d: {  	s3 =	simm.s32 $0x108;
	s8 =	sld [smem:$0x3FB5]  }
0x2e: {  	s3 =	simm.s32 @!p0 $0x1082;
	s9 =	sld [smem:$0x3FB6]  }
0x2f: {  	lr =	sadd.s32 s0, s3;
	s0 =	sld [smem:$0x3FAD]  }
0x30: {  	s3 =	sld [smem:$0x3FB0]  }
0x31: {  	[smem:$0x3FB9] =	sst s10  }
0x32: {  	s10 =	sld [smem:$0x3FB7];
	_ =	sdelay $0x3  }
0x33: {  	p0 =	seq.s32 s10, $0x1;
	s10 =	sld [smem:$0x3FB9];
	_ =	sdelay $0x3  }
0x34: {  	[smem:$0x3FB9] =	sst s10  }
0x35: {  	s10 =	sld [smem:$0x3FB8];
	_ =	sdelay $0x3  }
0x36: {  	p1 =	seq.s32 s10, $0x1;
	s10 =	sld [smem:$0x3FB9];
	_ =	sdelay $0x3  }
0x37: {  	[smem:$0x3FB9] =	sst s10  }
0x38: {  	s10 =	sld [smem:$0x3FBA]  }
0x39: {  	_ = 	snop;
	(pc) =	sbr.ind lr, $3  }
0x3a: {  	_ = 	snop  }
0x3b: {  	_ = 	snop  }
0x3c: {  	p2 =	seq.s32 s10, $0x1;
	s10 =	sld [smem:$0x3FB9]  }
0x3d: {  	_ =	shalt  }
0x3e: {  	_ =	shalt  }
0x3f: {  	_ =	shalt  }
0x40: {  	_ =	shalt  }
0x41: {  	_ =	shalt  }
0x42: {  	_ =	shalt  }
0x43: {  	_ =	shalt  }
0x44: {  	_ =	shalt  }
0x45: {  	_ =	shalt  }
0x46: {  	_ =	shalt  }
0x47: {  	_ =	shalt  }
0x48: {  	_ =	shalt  }
0x49: {  	_ =	shalt  }
0x4a: {  	_ =	shalt  }
0x4b: {  	_ =	shalt  }
0x4c: {  	_ =	shalt  }
0x4d: {  	_ =	shalt  }
0x4e: {  	_ =	shalt  }
0x4f: {  	_ =	shalt  }
0x50: {  	_ =	shalt  }
0x51: {  	_ =	shalt  }
0x52: {  	_ =	shalt  }
0x53: {  	_ =	shalt  }
0x54: {  	_ =	shalt  }
0x55: {  	_ =	shalt  }
0x56: {  	_ =	shalt  }
0x57: {  	_ =	shalt  }
0x58: {  	_ =	shalt  }
0x59: {  	_ =	shalt  }
0x5a: {  	_ =	shalt  }
0x5b: {  	_ =	shalt  }
0x5c: {  	_ =	shalt  }
0x5d: {  	_ =	shalt  }
0x5e: {  	_ =	shalt  }
0x5f: {  	_ =	shalt  }
0x60: {  	_ =	shalt  }
0x61: {  	_ =	shalt  }
0x62: {  	_ =	shalt  }
0x63: {  	_ =	shalt  }
0x64: {  	_ =	shalt  }
0x65: {  	_ =	shalt  }
0x66: {  	_ =	shalt  }
0x67: {  	_ =	shalt  }
0x68: {  	_ =	shalt  }
0x69: {  	_ =	shalt  }
0x6a: {  	_ =	shalt  }
0x6b: {  	_ =	shalt  }
0x6c: {  	_ =	shalt  }
0x6d: {  	_ =	shalt  }
0x6e: {  	_ =	shalt  }
0x6f: {  	_ =	shalt  }
0x70: {  	_ =	shalt  }
0x71: {  	_ =	shalt  }
0x72: {  	_ =	shalt  }
0x73: {  	_ =	shalt  }
0x74: {  	_ =	shalt  }
0x75: {  	_ =	shalt  }
0x76: {  	_ =	shalt  }
0x77: {  	_ =	shalt  }
0x78: {  	_ =	shalt  }
0x79: {  	_ =	shalt  }
0x7a: {  	_ =	shalt  }
0x7b: {  	_ =	shalt  }
0x7c: {  	_ =	shalt  }
0x7d: {  	_ =	shalt  }
0x7e: {  	_ =	shalt  }
0x7f: {  	_ =	shalt  }
0x80: {  	_ =	shalt  }
0x81: {  	_ =	shalt  }
0x82: {  	_ =	shalt  }
0x83: {  	_ =	shalt  }
0x84: {  	_ =	shalt  }
0x85: {  	_ =	shalt  }
0x86: {  	_ =	shalt  }
0x87: {  	_ =	shalt  }
.Lfunc_end0:
.L_simem_size_0:
called_computation.6_lowered:
.L_overlay_start_0:
0x88: {  	s2 =	sld [smem:$0x3FD9]  }
0x89: {  	s3 =	sld [smem:$0x3FFE];
	_ =	sdelay $0x1  }
0x8a: {  	s1 =	srdreg.scid  }
0x8b: {  	s0 =	sand.u32 $0x1, s1  }
0x8c: {  	s16 =	sshll.u32 s0, $0xA;
	s2 =	sadd.s32 s3, s2  }
0x8d: {  	s2 =	sadd.s32 s2, s16  }
0x8e: {  	[smem:$0x3FC5] =	sst s2  }
0x8f: {  	_ = 	snop  }
0x90: {  	(tm) =	ssettm $0x1  }
0x91: {  	s17 =	sld [smem:$0x3FFB];
	_ =	sdelay $0x3  }
0x92: {  	_ =	strace s17  }
0x93: {  	s2 =	sld [smem:$0x3FFC];
	_ =	sdelay $0x3  }
0x94: {  	_ =	strace s2  }
0x95: {  	s2 =	sld [smem:$0x3FFD];
	_ =	sdelay $0x3  }
0x96: {  	_ =	strace s2  }
0x97: {  	_ =	strace $0x8FFFFFFF  }
0x98: {  	s18 =	sld [smem:$0x3FDB];
	_ =	sdelay $0x1  }
0x99: {  	s19 =	simm.s32 $_scs_section_size  }
0x9a: {  	s4 =	simm.s32 $_size__tile_overlayer_lowered;
	s5 =	simm.s32 $_tile_overlayer_lowered  }
0x9b: {  	s22 =	simm.s32 $0x1BFF;
	s21 =	sshll.u32 s5, $0x1;
	s2 =	sadd.s32 s19, s18  }
0x9c: {  	s6 =	simm.s32 $0x0;
	s20 =	sshll.u32 s4, $0x1;
	s4 =	sadd.s32 s21, s2  }
0x9d: {  	[timem:s6], [sflag:s22] =	dma.local [hbm:s4], s20  }
0x9e: {  	_ =	swait.ge [sflag:s22], s20  }
0x9f: {  	s3 =	ssub.s32 $0x0, s20;
	[sflag:s22] =	ssyncset.done $0x0  }
0xa0: {  	[sflag:s22] =	ssyncadd.s32 s3;
	_ =	sdelay $0x1  }
0xa1: {  	s23 =	simm.s32 $0x1B8B  }
0xa2: {  	_ =	swait.ge [sflag:s23], $0x1  }
0xa3: {  	[sflag:s23] =	ssyncset.done $0x0  }
0xa4: {  	s25 =	simm.s32 $0x1B8E;
	s24 =	sld [smem:$0x3FFE];
	[sflag:s23] =	ssyncadd.s32 $0xFFFFFFFF  }
0xa5: {  	s26 =	simm.s32 $execute0_lowered;
	[smem:$0x3FD2] =	sst s25  }
0xa6: {  	s4 =	sshll.u32 s26, $0x1;
	_ =	strace $0x8000004F;
	[dreg:$0x1] =	wrdreg $0xFFFFFFFF  }
0xa7: {  	s28 =	simm.s32 $_size_execute0_lowered;
	s2 =	sadd.s32 s2, s4;
	[dreg:$0x0] =	wrdreg $0x0  }
0xa8: {  	s4 =	sshll.u32 s28, $0x1;
	[dreg:$0x2] =	wrdreg s2  }
0xa9: {  	[dreg:$0x3] =	wrdreg s4  }
0xaa: {  	[dreg:$0x4] =	wrdreg $0xC0  }
0xab: {  	_ =	task [dreg:s6], $0x5FFFF  }
0xac: {  	[dreg:$0x1] =	wrdreg $0xFFFFFFFF  }
0xad: {  	[dreg:$0x0] =	wrdreg $0x60  }
0xae: {  	[dreg:$0x2] =	wrdreg s24  }
0xaf: {  	[dreg:$0x3] =	wrdreg $0xA  }
0xb0: {  	_ =	task.clear_ibuf [dreg:s6], $0x4FFFF;
	_ =	strace $0x9000004F  }
0xb1: {  	s29 =	simm.s32 $0xA;
	_ =	strace $0x80000051  }
0xb2: {  	_ =	swait.ge [sflag:s29], $0x1  }
0xb3: {  	[sflag:s29] =	ssyncadd.s32 $0xFFFFFFFF  }
0xb4: {  	_ =	strace $0x90000051  }
0xb5: {  	_ =	sfence  }
0xb6: {  	s30 =	sld [smem:$0x0];
	_ =	sdelay $0x2  }
0xb7: {  	s31 =	sshll.u32 s1, $0xD;
	s1 =	sshrl.u32 s1, $0x2  }
0xb8: {  	s3 =	sand.u32 $0x4000, s31;
	s1 =	sadd.s32 s1, s30  }
0xb9: {  	s0 =	sor.u32 s3, s0;
	s1 =	sshll.u32 s1, $0x11  }
0xba: {  	s0 =	sor.u32 s1, s0  }
0xbb: {  	s0 =	sadd.s32 $0x8F2B, s0  }
0xbc: {  	[sflag:s0] =	ssyncadd.remote.s32 $0x1  }
0xbd: {  	_ =	sfence.sel $0xFFFF  }
0xbe: {  	[dreg:$0x0] =	wrdreg $0xFFFFFFFF;
	(pc) =	sbr.abs _section_cstart, $3  }
0xbf: {  	[dreg:$0x1] =	wrdreg $0xFFFFFFFF  }
0xc0: {  	_ =	task.clear_ibuf [dreg:s6], $0x2FFFF;
	_ =	strace $0x9FFFFFFF  }
0xc1: {  	(tm) =	ssettm $0x7FFFFFFF  }
tec
execute0_lowered:
.L_overlay_start_1:
0x0: {  	(tag) =	ssettag $0x1  }
0x1: {  	s8 =	rddreg [dreg:$0x0];
	s1 =	stileid.u32  }
0x2: {  	s2 =	srdreg.scid;
	s0 =	rddreg [dreg:$0x1]  }
0x3: {  	_ =	strace $0x80000050;
	s5 =	simm.s32 $0x1;
	s9 =	simm.s32 $0x1  }
0x4: {  	s10 =	simm.s32 $0x3;
	s2 =	sand.u32 $0x1, s2;
	s3 =	sshll.u32 s1, $0x1  }
0x5: {  	s13 =	simm.s32 $0x0;
	s12 =	simm.s32 $0x0;
	s6 =	sor.u32 s3, s2  }
0x6: {  	[sflag:s5] =	ssyncpa.u1 $0x0;
	s2 =	sadd.s32 $0xC00, s8;
	s4 =	smul.u32 $0xA0, s6  }
0x7: {  	s3 =	sadd.s32 $0x1000, s8;
	p0 =	slt.u32 s6, $0x13;
	s6 =	simm.s32 $0x1400  }
.Ltmp0:
0x8: {  	s6 =	simm.s32 @!p0 $0x0;
	s7 =	ssub.s32 $0x1F40, s4;
	(pc) =	sbr.rel .LBB2_1-.Ltmp0, $4  }
0x9: {  	s9 =	simm.s32 @!p0 $0x0;
	p0 =	sne.s32 s7, s6;
	s7 =	simm.s32 $0x1  }
0xa: {  	s8 =	sadd.s32 $0x1400, s8;
	s6 =	simm.s32 $0x2;
	s7 =	simm.s32 @!p0 $0x0  }
0xb: {  	s11 =	smov.u32 s4;
	[sflag:s6] =	ssyncpa.u1 $0x0;
	s7 =	sadd.s32 s9, s7  }
0xc: {  	vm0 =	vmmov $0xffff;
	[sflag:s10] =	ssyncpa.u1 $0x0;
	s10 =	simm.s32 $0x0;
	s9 =	sadd.s32 $0x1, s7  }
.LBB2_4:
0xd: {  	v5 =	vld.msk [tilespmem:s18+$0x0 ss:$0x1], $0xffff  }
0xe: {  	v6 =	vand.u32 $0x3, v1;
	v7 =	vshrl.u32 v1, $0x2  }
0xf: {  	v3 =	vor.u32 v4, v3;
	vm1 =	veq.s32 v1, $0x80000000;
	v53 =	vand.u32 $0x7FF, v7  }
0x10: {  	v2 =	vor.u32 v2, v3;
	v54 =	vsel vm1, $0xFFFFFFFF, v6;
	v1 =	vsel vm1, $0xFFFFFFFF, v53  }
0x11: {  	v6 =	vshll.u32 v54, $0x7;
	v3 =	vand.u32 $0xFFFFE000, v54;
	v55 =	vand.u32 $0x7F, v1  }
0x12: {  	v1 =	vshll.u32 v1, $0x2;
	v6 =	vand.u32 $0x180, v6;
	v56 =	vshrl.u32 v5, $0x2  }
0x13: {  	v1 =	vand.u32 $0xFFFFFE00, v1;
	vm1 =	veq.s32 v5, $0x80000000;
	v57 =	vand.u32 $0x7FF, v56  }
0x14: {  	v1 =	vadd.s32 v3, v1;
	v5 =	vand.u32 $0x3, v5;
	v3 =	vsel vm1, $0xFFFFFFFF, v57  }
0x15: {  	v1 =	vor.u32 v6, v1;
	v5 =	vsel vm1, $0xFFFFFFFF, v5;
	v58 =	vshll.u32 v3, $0x2  }
0x16: {  	v59 =	vshll.u32 v5, $0x7;
	v5 =	vand.u32 $0xFFFFE000, v5;
	v6 =	vand.u32 $0xFFFFFE00, v58  }
0x17: {  	v1 =	vor.u32 v55, v1;
	v61 =	vand.u32 $0x180, v59;
	v60 =	vadd.s32 v5, v6  }
0x18: {  	[tilespmem:s16], [sflag:$0x1] =	stream.indirect_vreg.gather [hbm4b:s2+s10], $0x1, v0, vm0, $0x4038;
	v62 =	vand.u32 $0x7F, v3;
	v63 =	vor.u32 v61, v60;
	[tilespmem:$0x280] =	vst v63  }
0x19: {  	(ifvalue) =	ssetifvalue $0x7FFFFFFF;
	v0 =	vor.u32 v62, v63  }
0x1a: {  	[tilespmem:s15], [sflag:$0x1] =	stream.indirect_vreg.gather [hbm4b:s2+s10], $0x1, v2, vm0, $0x4038;
	[tilespmem:$0x280] =	vst v63  }
0x1b: {  	s29 =	sadd.s32 $0x10, s15;
	(ifvalue) =	ssetifvalue $0x7FFFFFFF  }
0x1c: {  	[tilespmem:s29], [sflag:$0x1] =	stream.indirect_vreg.gather [hbm4b:s2+s10], $0x1, v1, vm0, $0x4038;
	[tilespmem:$0x280] =	vst v63  }
0x1d: {  	s15 =	sadd.s32 $0x10, s29;
	(ifvalue) =	ssetifvalue $0x7FFFFFFF  }
0x1e: {  	[tilespmem:s15], [sflag:$0x1] =	stream.indirect_vreg.gather [hbm4b:s2+s10], $0x1, v0, vm0, $0x4038;
	[tilespmem:$0x280] =	vst v63  }
0x1f: {  	_ =	swait.ge [sflag:s5], $0xA0  }
0x20: {  	s30 =	sshrl.u32 s13, $0x3;
	[sflag:s5] =	ssyncset.done $0x0  }
0x21: {  	s31 =	sand.u32 $0x7, s13;
	s15 =	sadd.s32 s8, s30;
	[sflag:s5] =	ssyncadd.s32 $0xFFFFFF60  }
0x22: {  	[hbm4b:s15+s31] =	stream.linear.scatter [tilespmem:s14], [sflag:$0x3], $0xA0, $0x38;
	[tilespmem:$0x280] =	vst v63  }
.LBB2_5:
0x23: {  	s15 =	sadd.s32 $0x1400, s11  }
0x24: {  	p1 =	sgt.s32 s15, $0x1F3F  }
0x25: {  	s15 =	smov.u32 @p1 s4;
	p1 =	sne.s32 s12, s9  }
.Ltmp1:
0x26: {  	p0 =	slt.u32 s12, $0x2;
	(pc) =	sbr.rel @!p1 .LBB2_6-.Ltmp1, $4  }
0x27: {  	s14 =	simm.s32 @!p0 $0x3  }
0x28: {  	_ =	swait.ge @!p0 [sflag:s14], $0xA0  }
0x29: {  	s16 =	sadd.s32 $0x1, s12;
	s13 =	smov.u32 s11;
	[sflag:s14] =	ssyncset.done @!p0 $0x0  }
0x2a: {  	s12 =	smov.u32 s16;
	s11 =	smov.u32 s15;
	[sflag:s14] =	ssyncadd.s32 @!p0 $0xFFFFFF60  }
.LBB2_1:
0x2b: {  	p0 =	sge.u32 s12, s7  }
0x2c: {  	s14 =	sxor.u32 @!p0 $0x1, s12  }
0x2d: {  	s14 =	smul.u32 @!p0 $0x280, s14  }
0x2e: {  	s31 =	sadd.s32 $0xFFFFFFFF, s12;
	s15 =	sshrl.u32 @!p0 s11, $0x3  }
0x2f: {  	s16 =	sand.u32 @!p0 $0x7, s11;
	s15 =	sadd.s32 @!p0 s3, s15;
	s14 =	sshra.s32 @!p0 s14, $0x2  }
0x30: {  	[tilespmem:s14], [sflag:$0x2] =	stream.linear.gather @!p0 [hbm4b:s15+s16], $0xA0, $0x38;
	[tilespmem:$0x280] =	vst v63  }
0x31: {  	p0 =	sge.u32 s31, s7  }
.Ltmp2:
0x32: {  	_ = 	snop;
	(pc) =	sbr.rel @p0 .LBB2_5-.Ltmp2, $1  }
0x33: {  	_ =	sdelay $0x3  }
0x34: {  	s14 =	sand.u32 $0x1, s12  }
0x35: {  	_ =	swait.ge [sflag:s6], $0xA0;
	p0 =	seq.s32 s14, $0x1;
	s14 =	simm.s32 $0xA0  }
0x36: {  	[sflag:s6] =	ssyncset.done $0x0;
	s14 =	simm.s32 @!p0 $0x0  }
0x37: {  	[sflag:s6] =	ssyncadd.s32 $0xFFFFFF60;
	(ifvalue) =	ssetifvalue $0x7FFFFFFF;
	v0 =	vld.msk [tilespmem:s14+$0x0 ss:$0x1], $0xffff;
	_ =	sdelay $0x4  }
0x38: {  	s15 =	sadd.s32 $0x10, s14;
	v2 =	vshrl.u32 v0, $0x2  }
0x39: {  	v1 =	vld.msk [tilespmem:s15+$0x0 ss:$0x1], $0xffff;
	vm1 =	veq.s32 v0, $0x80000000;
	v2 =	vand.u32 $0x7FF, v2  }
0x3a: {  	v0 =	vand.u32 $0x3, v0;
	v2 =	vsel vm1, $0xFFFFFFFF, v2  }
0x3b: {  	v0 =	vsel vm1, $0xFFFFFFFF, v0;
	v3 =	vshll.u32 v2, $0x2  }
0x3c: {  	v4 =	vand.u32 $0xFFFFE000, v0;
	v0 =	vshll.u32 v0, $0x7;
	v3 =	vand.u32 $0xFFFFFE00, v3  }
0x3d: {  	v0 =	vand.u32 $0x180, v0;
	v3 =	vadd.s32 v4, v3  }
0x3e: {  	v2 =	vand.u32 $0x7F, v2;
	v4 =	vshrl.u32 v1, $0x2;
	v0 =	vor.u32 v0, v3  }
0x3f: {  	vm1 =	veq.s32 v1, $0x80000000;
	v4 =	vand.u32 $0x7FF, v4;
	v0 =	vor.u32 v2, v0  }
0x40: {  	s15 =	sadd.s32 $0x10, s15;
	v1 =	vand.u32 $0x3, v1;
	v3 =	vsel vm1, $0xFFFFFFFF, v4  }
0x41: {  	s14 =	sor.u32 $0x140, s14;
	v2 =	vsel vm1, $0xFFFFFFFF, v1;
	v1 =	vld.msk [tilespmem:s15+$0x0 ss:$0x1], $0xffff;
	v4 =	vshll.u32 v3, $0x2  }
0x42: {  	s17 =	simm.s32 $0x30;
	s16 =	smov.u32 s14;
	v5 =	vshll.u32 v2, $0x7;
	v6 =	vand.u32 $0xFFFFE000, v2;
	v4 =	vand.u32 $0xFFFFFE00, v4  }
0x43: {  	s18 =	sadd.s32 $0x10, s15;
	(ifvalue) =	ssetifvalue $0x7FFFFFFF;
	s15 =	sadd.s32 $0x10, s14;
	v2 =	vand.u32 $0x7F, v3;
	v3 =	vadd.s32 v6, v4;
	v4 =	vand.u32 $0x180, v5  }
.LBB2_3:
0x44: {  	[tilespmem:s16], [sflag:$0x1] =	stream.indirect_vreg.gather [hbm4b:s2+s10], $0x1, v0, vm0, $0x4038;
	[tilespmem:$0x280] =	vst v63  }
0x45: {  	s17 =	sadd.s32 $0x10, s17  }
0x46: {  	v5 =	vand.u32 $0x3, v1;
	v6 =	vshrl.u32 v1, $0x2;
	v3 =	vor.u32 v4, v3;
	v0 =	vmovc v1;
	v1 =	vld.msk [tilespmem:s18+$0x0 ss:$0x1], $0xffff;
	p0 =	slt.u32 s17, $0x90  }
.Ltmp3:
0x47: {  	s16 =	smov.u32 s15;
	vm1 =	veq.s32 v0, $0x80000000;
	v4 =	vand.u32 $0x7FF, v6;
	v0 =	vor.u32 v2, v3;
	(pc) =	sbr.rel @p0 .LBB2_3-.Ltmp3, $4  }
0x48: {  	v3 =	vsel vm1, $0xFFFFFFFF, v5;
	v4 =	vsel vm1, $0xFFFFFFFF, v4  }
0x49: {  	v2 =	vand.u32 $0x7F, v4;
	v4 =	vshll.u32 v4, $0x2;
	v5 =	vshll.u32 v3, $0x7  }
0x4a: {  	v3 =	vand.u32 $0xFFFFE000, v3;
	v4 =	vand.u32 $0xFFFFFE00, v4  }
0x4b: {  	s18 =	sadd.s32 $0x10, s18;
	s15 =	sadd.s32 $0x10, s15;
	v3 =	vadd.s32 v3, v4;
	v4 =	vand.u32 $0x180, v5;
	(ifvalue) =	ssetifvalue $0x7FFFFFFF  }
.Ltmp4:
0x4c: {  	_ = 	snop;
	(pc) =	sbr.rel .LBB2_4-.Ltmp4, $1  }
0x4d: {  	_ =	sdelay $0x3  }
.LBB2_6:
0x4e: {  	_ =	sfence.sel $0x180000  }
0x4f: {  	s2 =	simm.s32 $0x2;
	[bflag:$0x0] =	sbarrier.arrive $0xFFFF  }
0x50: {  	s30 =	simm.s32 $0x3;
	[sflag:s2] =	ssyncpa.u1 $0x1  }
0x51: {  	s31 =	simm.s32 $0x1;
	[sflag:s30] =	ssyncpa.u1 $0x1  }
0x52: {  	[sflag:s31] =	ssyncpa.u1 $0x1  }
0x53: {  	p0 =	sne.s32 s1, $0x0;
	_ =	strace $0x90000050  }
0x54: {  	s0 =	sadd.s32 @!p0 $0x100000, s0;
	[bflag:$0x2] =	sbarrier.arrive $0xFFFF  }
0x55: {  	[sflag:s0] =	ssyncadd.tile.s32 @!p0 $0x1;
	_ =	shalt  }
.Lfunc_end2:
_tile_overlayer_lowered:
.L_overlay_start_2:
0x56: {  	(tag) =	ssettag $0x2  }
0x57: {  	s0 =	rddreg [dreg:$0x0];
	s2 =	stileid.u32  }
0x58: {  	s1 =	rddreg [dreg:$0x1];
	p0 =	sne.s32 s2, $0x0  }
0x59: {  	s3 =	rddreg [dreg:$0x2];
	[bflag:$0x3] =	sbarrier.arrive $0xFFFF;
	s2 =	simm.s32 @!p0 $0x1C01  }
0x5a: {  	[timem:s3], [sflag:s2] =	dma.local @!p0 [hbm:s0], s1  }
0x5b: {  	s0 =	simm.s32 @!p0 $0x1  }
0x5c: {  	_ =	swait.ge @!p0 [sflag:s0], s1  }
0x5d: {  	s1 =	ssub.s32 @!p0 $0x0, s1;
	[sflag:s0] =	ssyncset.done @!p0 $0x0  }
0x5e: {  	[sflag:s0] =	ssyncadd.s32 @!p0 s1  }
0x5f: {  	[bflag:$0x3] =	sbarrier.arrive $0xFFFF  }
0x60: {  	_ =	shalt  }

// kernel: gather_offload_async_start.7
scs
__scs_entry_jumppad:
0x0: {  	(pc) =	sbr.rel $0x88, $3  }
0x1: {  	(tag) =	ssettag $0x0;
	lr =	simm.s32 $0x1  }
0x2: {  	[smem:$0x3F9E] =	sst lr;
	_ =	strace $0xD0000000  }
0x3: {  	_ = 	snop  }
0x4: {  	_ = 	snop  }
0x5: {  	_ = 	snop  }
0x6: {  	_ = 	snop  }
0x7: {  	_ = 	snop  }
__scs_overlays_trampoline_lowered:
0x8: {  	[smem:$0x3FAD] =	sst s0  }
0x9: {  	[smem:$0x3FAE] =	sst s1  }
0xa: {  	[smem:$0x3FAF] =	sst s2  }
0xb: {  	[smem:$0x3FB0] =	sst s3  }
0xc: {  	[smem:$0x3FB1] =	sst s4  }
0xd: {  	[smem:$0x3FB2] =	sst s5  }
0xe: {  	[smem:$0x3FB3] =	sst s6  }
0xf: {  	[smem:$0x3FB4] =	sst s7  }
0x10: {  	[smem:$0x3FB5] =	sst s8  }
0x11: {  	[smem:$0x3FB6] =	sst s9;
	s0 =	simm.s32 @!p0 $0x0  }
0x12: {  	s1 =	sld [smem:$0x3F9C];
	s0 =	simm.s32 @p0 $0x1  }
0x13: {  	[smem:$0x3FB7] =	sst s0;
	s0 =	simm.s32 @!p1 $0x0  }
0x14: {  	s2 =	sld [smem:$0x3F9B];
	s0 =	simm.s32 @p1 $0x1  }
0x15: {  	[smem:$0x3FB8] =	sst s0;
	s0 =	simm.s32 @!p2 $0x0  }
0x16: {  	s3 =	sld [smem:$0x3FDB];
	s0 =	simm.s32 @p2 $0x1  }
0x17: {  	s4 =	simm.s32 $0x1BF5;
	[smem:$0x3FBA] =	sst s0  }
0x18: {  	s0 =	sld [smem:$0x3F9D];
	_ =	swait.ge [sflag:s4], $0x0  }
0x19: {  	s7 =	sld [smem:$0x3F9E]  }
0x1a: {  	s8 =	sadd.s32 $0xFFFFE003, lr  }
0x1b: {  	s9 =	sadd.s32 $0xFFFFFEF7, lr;
	s5 =	simm.s32 $0xFFFFFFFF;
	p2 =	slt.u32 s8, $0xFFFFF086  }
0x1c: {  	p1 =	slt.u32 s9, $0xF7A;
	s5 =	simm.s32 @!p2 $0x0  }
0x1d: {  	s5 =	simm.s32 @p1 $0x1;
	p0 =	seq.s32 s7, s2  }
0x1e: {  	s7 =	smul.u32 @!p0 $0xF7A, s2;
	p2 =	seq.s32 @!p0 s5, $0x0  }
0x1f: {  	s9 =	smul.u32 $0xF7A, s1;
	s8 =	simm.s32 @!p0 $0x1BF5;
	p2 =	por !p2, p0  }
0x20: {  	[sflag:s8] =	ssyncset.s32 @!p0 $0xFFFFF086;
	s6 =	sadd.s32 @!p0 s3, s7;
	s7 =	simm.s32 @!p0 $0x108  }
0x21: {  	s3 =	sadd.s32 s3, s9;
	s6 =	sadd.s32 @!p0 $0x88, s6;
	s7 =	simm.s32 @p2 $0x1082  }
0x22: {  	[simem:s7], [sflag:s8] =	dma.local @!p0 [hbm:s6], $0xF7A  }
0x23: {  	s9 =	sor.u32 $0xD0000000, s2;
	s6 =	simm.s32 $0x108;
	_ =	swait.ge @!p0 [sflag:s8], $0x0  }
0x24: {  	s3 =	sadd.s32 $0x88, s3;
	s6 =	simm.s32 @!p1 $0x1082;
	[sflag:s4] =	ssyncset.s32 $0xFFFFF086  }
0x25: {  	[simem:s6], [sflag:s4] =	dma.local [hbm:s3], $0xF7A  }
0x26: {  	[smem:$0x3F9E] =	sst s1;
	(tag) =	ssettag s2;
	_ =	strace s9  }
0x27: {  	s1 =	sld [smem:$0x3FAE]  }
0x28: {  	s2 =	sld [smem:$0x3FAF]  }
0x29: {  	s4 =	sld [smem:$0x3FB1]  }
0x2a: {  	p0 =	seq.s32 s5, $0x0;
	s5 =	sld [smem:$0x3FB2]  }
0x2b: {  	s6 =	sld [smem:$0x3FB3]  }
0x2c: {  	s7 =	sld [smem:$0x3FB4]  }
0x2d: {  	s3 =	simm.s32 $0x108;
	s8 =	sld [smem:$0x3FB5]  }
0x2e: {  	s3 =	simm.s32 @!p0 $0x1082;
	s9 =	sld [smem:$0x3FB6]  }
0x2f: {  	lr =	sadd.s32 s0, s3;
	s0 =	sld [smem:$0x3FAD]  }
0x30: {  	s3 =	sld [smem:$0x3FB0]  }
0x31: {  	[smem:$0x3FB9] =	sst s10  }
0x32: {  	s10 =	sld [smem:$0x3FB7];
	_ =	sdelay $0x3  }
0x33: {  	p0 =	seq.s32 s10, $0x1;
	s10 =	sld [smem:$0x3FB9];
	_ =	sdelay $0x3  }
0x34: {  	[smem:$0x3FB9] =	sst s10  }
0x35: {  	s10 =	sld [smem:$0x3FB8];
	_ =	sdelay $0x3  }
0x36: {  	p1 =	seq.s32 s10, $0x1;
	s10 =	sld [smem:$0x3FB9];
	_ =	sdelay $0x3  }
0x37: {  	[smem:$0x3FB9] =	sst s10  }
0x38: {  	s10 =	sld [smem:$0x3FBA]  }
0x39: {  	_ = 	snop;
	(pc) =	sbr.ind lr, $3  }
0x3a: {  	_ = 	snop  }
0x3b: {  	_ = 	snop  }
0x3c: {  	p2 =	seq.s32 s10, $0x1;
	s10 =	sld [smem:$0x3FB9]  }
0x3d: {  	_ =	shalt  }
0x3e: {  	_ =	shalt  }
0x3f: {  	_ =	shalt  }
0x40: {  	_ =	shalt  }
0x41: {  	_ =	shalt  }
0x42: {  	_ =	shalt  }
0x43: {  	_ =	shalt  }
0x44: {  	_ =	shalt  }
0x45: {  	_ =	shalt  }
0x46: {  	_ =	shalt  }
0x47: {  	_ =	shalt  }
0x48: {  	_ =	shalt  }
0x49: {  	_ =	shalt  }
0x4a: {  	_ =	shalt  }
0x4b: {  	_ =	shalt  }
0x4c: {  	_ =	shalt  }
0x4d: {  	_ =	shalt  }
0x4e: {  	_ =	shalt  }
0x4f: {  	_ =	shalt  }
0x50: {  	_ =	shalt  }
0x51: {  	_ =	shalt  }
0x52: {  	_ =	shalt  }
0x53: {  	_ =	shalt  }
0x54: {  	_ =	shalt  }
0x55: {  	_ =	shalt  }
0x56: {  	_ =	shalt  }
0x57: {  	_ =	shalt  }
0x58: {  	_ =	shalt  }
0x59: {  	_ =	shalt  }
0x5a: {  	_ =	shalt  }
0x5b: {  	_ =	shalt  }
0x5c: {  	_ =	shalt  }
0x5d: {  	_ =	shalt  }
0x5e: {  	_ =	shalt  }
0x5f: {  	_ =	shalt  }
0x60: {  	_ =	shalt  }
0x61: {  	_ =	shalt  }
0x62: {  	_ =	shalt  }
0x63: {  	_ =	shalt  }
0x64: {  	_ =	shalt  }
0x65: {  	_ =	shalt  }
0x66: {  	_ =	shalt  }
0x67: {  	_ =	shalt  }
0x68: {  	_ =	shalt  }
0x69: {  	_ =	shalt  }
0x6a: {  	_ =	shalt  }
0x6b: {  	_ =	shalt  }
0x6c: {  	_ =	shalt  }
0x6d: {  	_ =	shalt  }
0x6e: {  	_ =	shalt  }
0x6f: {  	_ =	shalt  }
0x70: {  	_ =	shalt  }
0x71: {  	_ =	shalt  }
0x72: {  	_ =	shalt  }
0x73: {  	_ =	shalt  }
0x74: {  	_ =	shalt  }
0x75: {  	_ =	shalt  }
0x76: {  	_ =	shalt  }
0x77: {  	_ =	shalt  }
0x78: {  	_ =	shalt  }
0x79: {  	_ =	shalt  }
0x7a: {  	_ =	shalt  }
0x7b: {  	_ =	shalt  }
0x7c: {  	_ =	shalt  }
0x7d: {  	_ =	shalt  }
0x7e: {  	_ =	shalt  }
0x7f: {  	_ =	shalt  }
0x80: {  	_ =	shalt  }
0x81: {  	_ =	shalt  }
0x82: {  	_ =	shalt  }
0x83: {  	_ =	shalt  }
0x84: {  	_ =	shalt  }
0x85: {  	_ =	shalt  }
0x86: {  	_ =	shalt  }
0x87: {  	_ =	shalt  }
.Lfunc_end0:
.L_simem_size_0:
called_computation.7_lowered:
.L_overlay_start_0:
0x88: {  	s2 =	sld [smem:$0x3FD9]  }
0x89: {  	s3 =	sld [smem:$0x3FFE];
	_ =	sdelay $0x1  }
0x8a: {  	s1 =	srdreg.scid  }
0x8b: {  	s0 =	sand.u32 $0x1, s1  }
0x8c: {  	s17 =	sshll.u32 s0, $0xA;
	s2 =	sadd.s32 s3, s2  }
0x8d: {  	s2 =	sadd.s32 s2, s17  }
0x8e: {  	[smem:$0x3FC5] =	sst s2  }
0x8f: {  	_ = 	snop  }
0x90: {  	s2 =	sld [smem:$0x3FD0];
	(tm) =	ssettm $0x1  }
0x91: {  	s18 =	sld [smem:$0x3FFB];
	_ =	sdelay $0x3  }
0x92: {  	_ =	strace s18  }
0x93: {  	s3 =	sld [smem:$0x3FFC];
	_ =	sdelay $0x3  }
0x94: {  	_ =	strace s3  }
0x95: {  	s3 =	sld [smem:$0x3FFD];
	_ =	sdelay $0x3  }
0x96: {  	_ =	strace s3  }
0x97: {  	_ =	strace $0x8FFFFFFF  }
0x98: {  	s19 =	sld [smem:$0x3FDB];
	_ =	sdelay $0x1  }
0x99: {  	s4 =	simm.s32 $_scs_section_size  }
0x9a: {  	s5 =	simm.s32 $_size__tile_overlayer_lowered;
	s6 =	simm.s32 $_tile_overlayer_lowered  }
0x9b: {  	s22 =	simm.s32 $0x1BFF;
	s21 =	sshll.u32 s6, $0x1;
	s3 =	sadd.s32 s4, s19  }
0x9c: {  	s7 =	simm.s32 $0x0;
	s20 =	sshll.u32 s5, $0x1;
	s5 =	sadd.s32 s21, s3  }
0x9d: {  	[timem:s7], [sflag:s22] =	dma.local [hbm:s5], s20  }
0x9e: {  	_ =	swait.ge [sflag:s22], s20  }
0x9f: {  	s4 =	ssub.s32 $0x0, s20;
	[sflag:s22] =	ssyncset.done $0x0  }
0xa0: {  	[sflag:s22] =	ssyncadd.s32 s4;
	_ =	sdelay $0x1  }
0xa1: {  	s23 =	simm.s32 $0x1B8B  }
0xa2: {  	_ =	swait.ge [sflag:s23], $0x1  }
0xa3: {  	[sflag:s23] =	ssyncset.done $0x0  }
0xa4: {  	s25 =	simm.s32 $0x1B8E;
	s24 =	sld [smem:$0x3FFE];
	[sflag:s23] =	ssyncadd.s32 $0xFFFFFFFF  }
0xa5: {  	s26 =	simm.s32 $execute0_lowered;
	[smem:$0x3FD2] =	sst s25  }
0xa6: {  	s5 =	sshll.u32 s26, $0x1;
	_ =	strace $0x8000004C;
	[dreg:$0x1] =	wrdreg $0xFFFFFFFF  }
0xa7: {  	s28 =	simm.s32 $_size_execute0_lowered;
	s3 =	sadd.s32 s3, s5;
	[dreg:$0x0] =	wrdreg $0x0  }
0xa8: {  	s5 =	sshll.u32 s28, $0x1;
	[dreg:$0x2] =	wrdreg s3  }
0xa9: {  	[dreg:$0x3] =	wrdreg s5  }
0xaa: {  	[dreg:$0x4] =	wrdreg $0xC0  }
0xab: {  	_ =	task [dreg:s7], $0x5FFFF  }
0xac: {  	[dreg:$0x1] =	wrdreg $0xFFFFFFFF  }
0xad: {  	[dreg:$0x0] =	wrdreg $0x60  }
0xae: {  	[dreg:$0x2] =	wrdreg s2  }
0xaf: {  	[dreg:$0x3] =	wrdreg s24  }
0xb0: {  	[dreg:$0x4] =	wrdreg $0x9  }
0xb1: {  	_ =	task.clear_ibuf [dreg:s7], $0x5FFFF;
	_ =	strace $0x9000004C  }
0xb2: {  	s29 =	simm.s32 $0x9;
	_ =	strace $0x8000004E  }
0xb3: {  	_ =	swait.ge [sflag:s29], $0x1  }
0xb4: {  	[sflag:s29] =	ssyncadd.s32 $0xFFFFFFFF  }
0xb5: {  	_ =	strace $0x9000004E  }
0xb6: {  	_ =	sfence  }
0xb7: {  	s30 =	sld [smem:$0x0];
	_ =	sdelay $0x2  }
0xb8: {  	s31 =	sshll.u32 s1, $0xD;
	s1 =	sshrl.u32 s1, $0x2  }
0xb9: {  	s3 =	sand.u32 $0x4000, s31;
	s1 =	sadd.s32 s1, s30  }
0xba: {  	s0 =	sor.u32 s3, s0;
	s1 =	sshll.u32 s1, $0x11  }
0xbb: {  	s0 =	sor.u32 s1, s0  }
0xbc: {  	s0 =	sadd.s32 $0x8F2B, s0  }
0xbd: {  	[sflag:s0] =	ssyncadd.remote.s32 $0x1  }
0xbe: {  	_ =	sfence.sel $0xFFFF  }
0xbf: {  	[dreg:$0x0] =	wrdreg $0xFFFFFFFF;
	(pc) =	sbr.abs _section_cstart, $3  }
0xc0: {  	[dreg:$0x1] =	wrdreg $0xFFFFFFFF  }
0xc1: {  	_ =	task.clear_ibuf [dreg:s7], $0x2FFFF;
	_ =	strace $0x9FFFFFFF  }
0xc2: {  	(tm) =	ssettm $0x7FFFFFFF  }
0xc3: {  	_ =	shalt  }
tec
execute0_lowered:
.L_overlay_start_1:
0x0: {  	(tag) =	ssettag $0x1  }
0x1: {  	s2 =	rddreg [dreg:$0x0];
	s0 =	stileid.u32  }
0x2: {  	s1 =	srdreg.scid;
	s8 =	rddreg [dreg:$0x1]  }
0x3: {  	s5 =	simm.s32 $0x1;
	s9 =	simm.s32 $0x1;
	s10 =	simm.s32 $0x3  }
0x4: {  	s13 =	simm.s32 $0x0;
	s3 =	sand.u32 $0x1, s1;
	s4 =	sshll.u32 s0, $0x1  }
0x5: {  	s12 =	simm.s32 $0x0;
	s1 =	rddreg [dreg:$0x2];
	s6 =	sor.u32 s4, s3  }
0x6: {  	_ =	strace $0x8000004D;
	s3 =	sadd.s32 $0x1000, s8;
	s4 =	smul.u32 $0xA0, s6  }
0x7: {  	[sflag:s5] =	ssyncpa.u1 $0x0;
	p0 =	slt.u32 s6, $0x13;
	s6 =	simm.s32 $0x1400  }
.Ltmp0:
0x8: {  	s6 =	simm.s32 @!p0 $0x0;
	s7 =	ssub.s32 $0x1F40, s4;
	(pc) =	sbr.rel .LBB2_1-.Ltmp0, $4  }
0x9: {  	s9 =	simm.s32 @!p0 $0x0;
	p0 =	sne.s32 s7, s6;
	s7 =	simm.s32 $0x1  }
0xa: {  	s8 =	sadd.s32 $0x1400, s8;
	s6 =	simm.s32 $0x2;
	s7 =	simm.s32 @!p0 $0x0  }
0xb: {  	s11 =	smov.u32 s4;
	[sflag:s6] =	ssyncpa.u1 $0x0;
	s7 =	sadd.s32 s9, s7  }
0xc: {  	vm0 =	vmmov $0xffff;
	[sflag:s10] =	ssyncpa.u1 $0x0;
	s10 =	simm.s32 $0x0;
	s9 =	sadd.s32 $0x1, s7  }
.LBB2_4:
0xd: {  	v5 =	vld.msk [tilespmem:s18+$0x0 ss:$0x1], $0xffff  }
0xe: {  	v6 =	vand.u32 $0x3, v1;
	v7 =	vshrl.u32 v1, $0x2  }
0xf: {  	v3 =	vor.u32 v4, v3;
	vm1 =	veq.s32 v1, $0x80000000;
	v53 =	vand.u32 $0x7FF, v7  }
0x10: {  	v2 =	vor.u32 v2, v3;
	v54 =	vsel vm1, $0xFFFFFFFF, v6;
	v1 =	vsel vm1, $0xFFFFFFFF, v53  }
0x11: {  	v6 =	vshll.u32 v54, $0x7;
	v3 =	vand.u32 $0xFFFFE000, v54;
	v55 =	vand.u32 $0x7F, v1  }
0x12: {  	v1 =	vshll.u32 v1, $0x2;
	v6 =	vand.u32 $0x180, v6;
	v56 =	vshrl.u32 v5, $0x2  }
0x13: {  	v1 =	vand.u32 $0xFFFFFE00, v1;
	vm1 =	veq.s32 v5, $0x80000000;
	v57 =	vand.u32 $0x7FF, v56  }
0x14: {  	v1 =	vadd.s32 v3, v1;
	v5 =	vand.u32 $0x3, v5;
	v3 =	vsel vm1, $0xFFFFFFFF, v57  }
0x15: {  	v1 =	vor.u32 v6, v1;
	v5 =	vsel vm1, $0xFFFFFFFF, v5;
	v58 =	vshll.u32 v3, $0x2  }
0x16: {  	v59 =	vshll.u32 v5, $0x7;
	v5 =	vand.u32 $0xFFFFE000, v5;
	v6 =	vand.u32 $0xFFFFFE00, v58  }
0x17: {  	v1 =	vor.u32 v55, v1;
	v61 =	vand.u32 $0x180, v59;
	v60 =	vadd.s32 v5, v6  }
0x18: {  	[tilespmem:s16], [sflag:$0x1] =	stream.indirect_vreg.gather [hbm4b:s2+s10], $0x1, v0, vm0, $0x4038;
	v62 =	vand.u32 $0x7F, v3;
	v63 =	vor.u32 v61, v60;
	[tilespmem:$0x280] =	vst v63  }
0x19: {  	(ifvalue) =	ssetifvalue $0x7FFFFFFF;
	v0 =	vor.u32 v62, v63  }
0x1a: {  	[tilespmem:s15], [sflag:$0x1] =	stream.indirect_vreg.gather [hbm4b:s2+s10], $0x1, v2, vm0, $0x4038;
	[tilespmem:$0x280] =	vst v63  }
0x1b: {  	s29 =	sadd.s32 $0x10, s15;
	(ifvalue) =	ssetifvalue $0x7FFFFFFF  }
0x1c: {  	[tilespmem:s29], [sflag:$0x1] =	stream.indirect_vreg.gather [hbm4b:s2+s10], $0x1, v1, vm0, $0x4038;
	[tilespmem:$0x280] =	vst v63  }
0x1d: {  	s15 =	sadd.s32 $0x10, s29;
	(ifvalue) =	ssetifvalue $0x7FFFFFFF  }
0x1e: {  	[tilespmem:s15], [sflag:$0x1] =	stream.indirect_vreg.gather [hbm4b:s2+s10], $0x1, v0, vm0, $0x4038;
	[tilespmem:$0x280] =	vst v63  }
0x1f: {  	_ =	swait.ge [sflag:s5], $0xA0  }
0x20: {  	s30 =	sshrl.u32 s13, $0x3;
	[sflag:s5] =	ssyncset.done $0x0  }
0x21: {  	s31 =	sand.u32 $0x7, s13;
	s15 =	sadd.s32 s8, s30;
	[sflag:s5] =	ssyncadd.s32 $0xFFFFFF60  }
0x22: {  	[hbm4b:s15+s31] =	stream.linear.scatter [tilespmem:s14], [sflag:$0x3], $0xA0, $0x38;
	[tilespmem:$0x280] =	vst v63  }
.LBB2_5:
0x23: {  	s15 =	sadd.s32 $0x1400, s11  }
0x24: {  	p1 =	sgt.s32 s15, $0x1F3F  }
0x25: {  	s15 =	smov.u32 @p1 s4;
	p1 =	sne.s32 s12, s9  }
.Ltmp1:
0x26: {  	p0 =	slt.u32 s12, $0x2;
	(pc) =	sbr.rel @!p1 .LBB2_6-.Ltmp1, $4  }
0x27: {  	s14 =	simm.s32 @!p0 $0x3  }
0x28: {  	_ =	swait.ge @!p0 [sflag:s14], $0xA0  }
0x29: {  	s16 =	sadd.s32 $0x1, s12;
	s13 =	smov.u32 s11;
	[sflag:s14] =	ssyncset.done @!p0 $0x0  }
0x2a: {  	s12 =	smov.u32 s16;
	s11 =	smov.u32 s15;
	[sflag:s14] =	ssyncadd.s32 @!p0 $0xFFFFFF60  }
.LBB2_1:
0x2b: {  	p0 =	sge.u32 s12, s7  }
0x2c: {  	s14 =	sxor.u32 @!p0 $0x1, s12  }
0x2d: {  	s14 =	smul.u32 @!p0 $0x280, s14  }
0x2e: {  	s31 =	sadd.s32 $0xFFFFFFFF, s12;
	s15 =	sshrl.u32 @!p0 s11, $0x3  }
0x2f: {  	s16 =	sand.u32 @!p0 $0x7, s11;
	s15 =	sadd.s32 @!p0 s3, s15;
	s14 =	sshra.s32 @!p0 s14, $0x2  }
0x30: {  	[tilespmem:s14], [sflag:$0x2] =	stream.linear.gather @!p0 [hbm4b:s15+s16], $0xA0, $0x38;
	[tilespmem:$0x280] =	vst v63  }
0x31: {  	p0 =	sge.u32 s31, s7  }
.Ltmp2:
0x32: {  	_ = 	snop;
	(pc) =	sbr.rel @p0 .LBB2_5-.Ltmp2, $1  }
0x33: {  	_ =	sdelay $0x3  }
0x34: {  	s14 =	sand.u32 $0x1, s12  }
0x35: {  	_ =	swait.ge [sflag:s6], $0xA0;
	p0 =	seq.s32 s14, $0x1;
	s14 =	simm.s32 $0xA0  }
0x36: {  	[sflag:s6] =	ssyncset.done $0x0;
	s14 =	simm.s32 @!p0 $0x0  }
0x37: {  	[sflag:s6] =	ssyncadd.s32 $0xFFFFFF60;
	(ifvalue) =	ssetifvalue $0x7FFFFFFF;
	v0 =	vld.msk [tilespmem:s14+$0x0 ss:$0x1], $0xffff;
	_ =	sdelay $0x4  }
0x38: {  	s15 =	sadd.s32 $0x10, s14;
	v2 =	vshrl.u32 v0, $0x2  }
0x39: {  	v1 =	vld.msk [tilespmem:s15+$0x0 ss:$0x1], $0xffff;
	vm1 =	veq.s32 v0, $0x80000000;
	v2 =	vand.u32 $0x7FF, v2  }
0x3a: {  	v0 =	vand.u32 $0x3, v0;
	v2 =	vsel vm1, $0xFFFFFFFF, v2  }
0x3b: {  	v0 =	vsel vm1, $0xFFFFFFFF, v0;
	v3 =	vshll.u32 v2, $0x2  }
0x3c: {  	v4 =	vand.u32 $0xFFFFE000, v0;
	v0 =	vshll.u32 v0, $0x7;
	v3 =	vand.u32 $0xFFFFFE00, v3  }
0x3d: {  	v0 =	vand.u32 $0x180, v0;
	v3 =	vadd.s32 v4, v3  }
0x3e: {  	v2 =	vand.u32 $0x7F, v2;
	v4 =	vshrl.u32 v1, $0x2;
	v0 =	vor.u32 v0, v3  }
0x3f: {  	vm1 =	veq.s32 v1, $0x80000000;
	v4 =	vand.u32 $0x7FF, v4;
	v0 =	vor.u32 v2, v0  }
0x40: {  	s15 =	sadd.s32 $0x10, s15;
	v1 =	vand.u32 $0x3, v1;
	v3 =	vsel vm1, $0xFFFFFFFF, v4  }
0x41: {  	s14 =	sor.u32 $0x140, s14;
	v2 =	vsel vm1, $0xFFFFFFFF, v1;
	v1 =	vld.msk [tilespmem:s15+$0x0 ss:$0x1], $0xffff;
	v4 =	vshll.u32 v3, $0x2  }
0x42: {  	s17 =	simm.s32 $0x30;
	s16 =	smov.u32 s14;
	v5 =	vshll.u32 v2, $0x7;
	v6 =	vand.u32 $0xFFFFE000, v2;
	v4 =	vand.u32 $0xFFFFFE00, v4  }
0x43: {  	s18 =	sadd.s32 $0x10, s15;
	(ifvalue) =	ssetifvalue $0x7FFFFFFF;
	s15 =	sadd.s32 $0x10, s14;
	v2 =	vand.u32 $0x7F, v3;
	v3 =	vadd.s32 v6, v4;
	v4 =	vand.u32 $0x180, v5  }
.LBB2_3:
0x44: {  	[tilespmem:s16], [sflag:$0x1] =	stream.indirect_vreg.gather [hbm4b:s2+s10], $0x1, v0, vm0, $0x4038;
	[tilespmem:$0x280] =	vst v63  }
0x45: {  	s17 =	sadd.s32 $0x10, s17  }
0x46: {  	v5 =	vand.u32 $0x3, v1;
	v6 =	vshrl.u32 v1, $0x2;
	v3 =	vor.u32 v4, v3;
	v0 =	vmovc v1;
	v1 =	vld.msk [tilespmem:s18+$0x0 ss:$0x1], $0xffff;
	p0 =	slt.u32 s17, $0x90  }
.Ltmp3:
0x47: {  	s16 =	smov.u32 s15;
	vm1 =	veq.s32 v0, $0x80000000;
	v4 =	vand.u32 $0x7FF, v6;
	v0 =	vor.u32 v2, v3;
	(pc) =	sbr.rel @p0 .LBB2_3-.Ltmp3, $4  }
0x48: {  	v3 =	vsel vm1, $0xFFFFFFFF, v5;
	v4 =	vsel vm1, $0xFFFFFFFF, v4  }
0x49: {  	v2 =	vand.u32 $0x7F, v4;
	v4 =	vshll.u32 v4, $0x2;
	v5 =	vshll.u32 v3, $0x7  }
0x4a: {  	v3 =	vand.u32 $0xFFFFE000, v3;
	v4 =	vand.u32 $0xFFFFFE00, v4  }
0x4b: {  	s18 =	sadd.s32 $0x10, s18;
	s15 =	sadd.s32 $0x10, s15;
	v3 =	vadd.s32 v3, v4;
	v4 =	vand.u32 $0x180, v5;
	(ifvalue) =	ssetifvalue $0x7FFFFFFF  }
.Ltmp4:
0x4c: {  	_ = 	snop;
	(pc) =	sbr.rel .LBB2_4-.Ltmp4, $1  }
0x4d: {  	_ =	sdelay $0x3  }
.LBB2_6:
0x4e: {  	_ =	sfence.sel $0x180000  }
0x4f: {  	s2 =	simm.s32 $0x2;
	[bflag:$0x0] =	sbarrier.arrive $0xFFFF  }
0x50: {  	s30 =	simm.s32 $0x3;
	[sflag:s2] =	ssyncpa.u1 $0x1  }
0x51: {  	s31 =	simm.s32 $0x1;
	[sflag:s30] =	ssyncpa.u1 $0x1  }
0x52: {  	[sflag:s31] =	ssyncpa.u1 $0x1  }
0x53: {  	p0 =	sne.s32 s0, $0x0;
	_ =	strace $0x9000004D  }
0x54: {  	s0 =	sadd.s32 @!p0 $0x100000, s1;
	[bflag:$0x2] =	sbarrier.arrive $0xFFFF  }
0x55: {  	[sflag:s0] =	ssyncadd.tile.s32 @!p0 $0x1;
	_ =	shalt  }
.Lfunc_end2:
_tile_overlayer_lowered:
.L_overlay_start_2:
0x56: {  	(tag) =	ssettag $0x2  }
0x57: {  	s0 =	rddreg [dreg:$0x0];
	s2 =	stileid.u32  }
0x58: {  	s1 =	rddreg [dreg:$0x1];
	p0 =	sne.s32 s2, $0x0  }
0x59: {  	s3 =	rddreg [dreg:$0x2];
	[bflag:$0x3] =	sbarrier.arrive $0xFFFF;
	s2 =	simm.s32 @!p0 $0x1C01  }
0x5a: {  	[timem:s3], [sflag:s2] =	dma.local @!p0 [hbm:s0], s1  }
0x5b: {  	s0 =	simm.s32 @!p0 $0x1  }
0x5c: {  	_ =	swait.ge @!p0 [sflag:s0], s1  }
0x5d: {  	s1 =	ssub.s32 @!p0 $0x0, s1;
	[sflag:s0] =	ssyncset.done @!p0 $0x0  }
0x5e: {  	[sflag:s0] =	ssyncadd.s32 @!p0 s1  }
0x5f: {  	[bflag:$0x3] =	sbarrier.arrive $0xFFFF  }
0x60: {  	_ =	shalt  }

// kernel: gather_offload_async_start
scs
__scs_entry_jumppad:
0x0: {  	(pc) =	sbr.rel $0x88, $3  }
0x1: {  	(tag) =	ssettag $0x0;
	lr =	simm.s32 $0x1  }
0x2: {  	[smem:$0x3F9E] =	sst lr;
	_ =	strace $0xD0000000  }
0x3: {  	_ = 	snop  }
0x4: {  	_ = 	snop  }
0x5: {  	_ = 	snop  }
0x6: {  	_ = 	snop  }
0x7: {  	_ = 	snop  }
__scs_overlays_trampoline_lowered:
0x8: {  	[smem:$0x3FAD] =	sst s0  }
0x9: {  	[smem:$0x3FAE] =	sst s1  }
0xa: {  	[smem:$0x3FAF] =	sst s2  }
0xb: {  	[smem:$0x3FB0] =	sst s3  }
0xc: {  	[smem:$0x3FB1] =	sst s4  }
0xd: {  	[smem:$0x3FB2] =	sst s5  }
0xe: {  	[smem:$0x3FB3] =	sst s6  }
0xf: {  	[smem:$0x3FB4] =	sst s7  }
0x10: {  	[smem:$0x3FB5] =	sst s8  }
0x11: {  	[smem:$0x3FB6] =	sst s9;
	s0 =	simm.s32 @!p0 $0x0  }
0x12: {  	s1 =	sld [smem:$0x3F9C];
	s0 =	simm.s32 @p0 $0x1  }
0x13: {  	[smem:$0x3FB7] =	sst s0;
	s0 =	simm.s32 @!p1 $0x0  }
0x14: {  	s2 =	sld [smem:$0x3F9B];
	s0 =	simm.s32 @p1 $0x1  }
0x15: {  	[smem:$0x3FB8] =	sst s0;
	s0 =	simm.s32 @!p2 $0x0  }
0x16: {  	s3 =	sld [smem:$0x3FDB];
	s0 =	simm.s32 @p2 $0x1  }
0x17: {  	s4 =	simm.s32 $0x1BF5;
	[smem:$0x3FBA] =	sst s0  }
0x18: {  	s0 =	sld [smem:$0x3F9D];
	_ =	swait.ge [sflag:s4], $0x0  }
0x19: {  	s7 =	sld [smem:$0x3F9E]  }
0x1a: {  	s8 =	sadd.s32 $0xFFFFE003, lr  }
0x1b: {  	s9 =	sadd.s32 $0xFFFFFEF7, lr;
	s5 =	simm.s32 $0xFFFFFFFF;
	p2 =	slt.u32 s8, $0xFFFFF086  }
0x1c: {  	p1 =	slt.u32 s9, $0xF7A;
	s5 =	simm.s32 @!p2 $0x0  }
0x1d: {  	s5 =	simm.s32 @p1 $0x1;
	p0 =	seq.s32 s7, s2  }
0x1e: {  	s7 =	smul.u32 @!p0 $0xF7A, s2;
	p2 =	seq.s32 @!p0 s5, $0x0  }
0x1f: {  	s9 =	smul.u32 $0xF7A, s1;
	s8 =	simm.s32 @!p0 $0x1BF5;
	p2 =	por !p2, p0  }
0x20: {  	[sflag:s8] =	ssyncset.s32 @!p0 $0xFFFFF086;
	s6 =	sadd.s32 @!p0 s3, s7;
	s7 =	simm.s32 @!p0 $0x108  }
0x21: {  	s3 =	sadd.s32 s3, s9;
	s6 =	sadd.s32 @!p0 $0x88, s6;
	s7 =	simm.s32 @p2 $0x1082  }
0x22: {  	[simem:s7], [sflag:s8] =	dma.local @!p0 [hbm:s6], $0xF7A  }
0x23: {  	s9 =	sor.u32 $0xD0000000, s2;
	s6 =	simm.s32 $0x108;
	_ =	swait.ge @!p0 [sflag:s8], $0x0  }
0x24: {  	s3 =	sadd.s32 $0x88, s3;
	s6 =	simm.s32 @!p1 $0x1082;
	[sflag:s4] =	ssyncset.s32 $0xFFFFF086  }
0x25: {  	[simem:s6], [sflag:s4] =	dma.local [hbm:s3], $0xF7A  }
0x26: {  	[smem:$0x3F9E] =	sst s1;
	(tag) =	ssettag s2;
	_ =	strace s9  }
0x27: {  	s1 =	sld [smem:$0x3FAE]  }
0x28: {  	s2 =	sld [smem:$0x3FAF]  }
0x29: {  	s4 =	sld [smem:$0x3FB1]  }
0x2a: {  	p0 =	seq.s32 s5, $0x0;
	s5 =	sld [smem:$0x3FB2]  }
0x2b: {  	s6 =	sld [smem:$0x3FB3]  }
0x2c: {  	s7 =	sld [smem:$0x3FB4]  }
0x2d: {  	s3 =	simm.s32 $0x108;
	s8 =	sld [smem:$0x3FB5]  }
0x2e: {  	s3 =	simm.s32 @!p0 $0x1082;
	s9 =	sld [smem:$0x3FB6]  }
0x2f: {  	lr =	sadd.s32 s0, s3;
	s0 =	sld [smem:$0x3FAD]  }
0x30: {  	s3 =	sld [smem:$0x3FB0]  }
0x31: {  	[smem:$0x3FB9] =	sst s10  }
0x32: {  	s10 =	sld [smem:$0x3FB7];
	_ =	sdelay $0x3  }
0x33: {  	p0 =	seq.s32 s10, $0x1;
	s10 =	sld [smem:$0x3FB9];
	_ =	sdelay $0x3  }
0x34: {  	[smem:$0x3FB9] =	sst s10  }
0x35: {  	s10 =	sld [smem:$0x3FB8];
	_ =	sdelay $0x3  }
0x36: {  	p1 =	seq.s32 s10, $0x1;
	s10 =	sld [smem:$0x3FB9];
	_ =	sdelay $0x3  }
0x37: {  	[smem:$0x3FB9] =	sst s10  }
0x38: {  	s10 =	sld [smem:$0x3FBA]  }
0x39: {  	_ = 	snop;
	(pc) =	sbr.ind lr, $3  }
0x3a: {  	_ = 	snop  }
0x3b: {  	_ = 	snop  }
0x3c: {  	p2 =	seq.s32 s10, $0x1;
	s10 =	sld [smem:$0x3FB9]  }
0x3d: {  	_ =	shalt  }
0x3e: {  	_ =	shalt  }
0x3f: {  	_ =	shalt  }
0x40: {  	_ =	shalt  }
0x41: {  	_ =	shalt  }
0x42: {  	_ =	shalt  }
0x43: {  	_ =	shalt  }
0x44: {  	_ =	shalt  }
0x45: {  	_ =	shalt  }
0x46: {  	_ =	shalt  }
0x47: {  	_ =	shalt  }
0x48: {  	_ =	shalt  }
0x49: {  	_ =	shalt  }
0x4a: {  	_ =	shalt  }
0x4b: {  	_ =	shalt  }
0x4c: {  	_ =	shalt  }
0x4d: {  	_ =	shalt  }
0x4e: {  	_ =	shalt  }
0x4f: {  	_ =	shalt  }
0x50: {  	_ =	shalt  }
0x51: {  	_ =	shalt  }
0x52: {  	_ =	shalt  }
0x53: {  	_ =	shalt  }
0x54: {  	_ =	shalt  }
0x55: {  	_ =	shalt  }
0x56: {  	_ =	shalt  }
0x57: {  	_ =	shalt  }
0x58: {  	_ =	shalt  }
0x59: {  	_ =	shalt  }
0x5a: {  	_ =	shalt  }
0x5b: {  	_ =	shalt  }
0x5c: {  	_ =	shalt  }
0x5d: {  	_ =	shalt  }
0x5e: {  	_ =	shalt  }
0x5f: {  	_ =	shalt  }
0x60: {  	_ =	shalt  }
0x61: {  	_ =	shalt  }
0x62: {  	_ =	shalt  }
0x63: {  	_ =	shalt  }
0x64: {  	_ =	shalt  }
0x65: {  	_ =	shalt  }
0x66: {  	_ =	shalt  }
0x67: {  	_ =	shalt  }
0x68: {  	_ =	shalt  }
0x69: {  	_ =	shalt  }
0x6a: {  	_ =	shalt  }
0x6b: {  	_ =	shalt  }
0x6c: {  	_ =	shalt  }
0x6d: {  	_ =	shalt  }
0x6e: {  	_ =	shalt  }
0x6f: {  	_ =	shalt  }
0x70: {  	_ =	shalt  }
0x71: {  	_ =	shalt  }
0x72: {  	_ =	shalt  }
0x73: {  	_ =	shalt  }
0x74: {  	_ =	shalt  }
0x75: {  	_ =	shalt  }
0x76: {  	_ =	shalt  }
0x77: {  	_ =	shalt  }
0x78: {  	_ =	shalt  }
0x79: {  	_ =	shalt  }
0x7a: {  	_ =	shalt  }
0x7b: {  	_ =	shalt  }
0x7c: {  	_ =	shalt  }
0x7d: {  	_ =	shalt  }
0x7e: {  	_ =	shalt  }
0x7f: {  	_ =	shalt  }
0x80: {  	_ =	shalt  }
0x81: {  	_ =	shalt  }
0x82: {  	_ =	shalt  }
0x83: {  	_ =	shalt  }
0x84: {  	_ =	shalt  }
0x85: {  	_ =	shalt  }
0x86: {  	_ =	shalt  }
0x87: {  	_ =	shalt  }
.Lfunc_end0:
.L_simem_size_0:
called_computation_lowered:
.L_overlay_start_0:
0x88: {  	s2 =	sld [smem:$0x3FD9]  }
0x89: {  	s3 =	sld [smem:$0x3FFE];
	_ =	sdelay $0x1  }
0x8a: {  	s1 =	srdreg.scid  }
0x8b: {  	s0 =	sand.u32 $0x1, s1  }
0x8c: {  	s16 =	sshll.u32 s0, $0xA;
	s2 =	sadd.s32 s3, s2  }
0x8d: {  	s2 =	sadd.s32 s2, s16  }
0x8e: {  	[smem:$0x3FC5] =	sst s2  }
0x8f: {  	_ = 	snop  }
0x90: {  	(tm) =	ssettm $0x1  }
0x91: {  	s17 =	sld [smem:$0x3FFB];
	_ =	sdelay $0x3  }
0x92: {  	_ =	strace s17  }
0x93: {  	s2 =	sld [smem:$0x3FFC];
	_ =	sdelay $0x3  }
0x94: {  	_ =	strace s2  }
0x95: {  	s2 =	sld [smem:$0x3FFD];
	_ =	sdelay $0x3  }
0x96: {  	_ =	strace s2  }
0x97: {  	_ =	strace $0x8FFFFFFF  }
0x98: {  	s18 =	sld [smem:$0x3FDB];
	_ =	sdelay $0x1  }
0x99: {  	s19 =	simm.s32 $_scs_section_size  }
0x9a: {  	s4 =	simm.s32 $_size__tile_overlayer_lowered;
	s5 =	simm.s32 $_tile_overlayer_lowered  }
0x9b: {  	s22 =	simm.s32 $0x1BFF;
	s21 =	sshll.u32 s5, $0x1;
	s2 =	sadd.s32 s19, s18  }
0x9c: {  	s6 =	simm.s32 $0x0;
	s20 =	sshll.u32 s4, $0x1;
	s4 =	sadd.s32 s21, s2  }
0x9d: {  	[timem:s6], [sflag:s22] =	dma.local [hbm:s4], s20  }
0x9e: {  	_ =	swait.ge [sflag:s22], s20  }
0x9f: {  	s3 =	ssub.s32 $0x0, s20;
	[sflag:s22] =	ssyncset.done $0x0  }
0xa0: {  	[sflag:s22] =	ssyncadd.s32 s3;
	_ =	sdelay $0x1  }
0xa1: {  	s23 =	simm.s32 $0x1B8B  }
0xa2: {  	_ =	swait.ge [sflag:s23], $0x1  }
0xa3: {  	[sflag:s23] =	ssyncset.done $0x0  }
0xa4: {  	s25 =	simm.s32 $0x1B8E;
	s24 =	sld [smem:$0x3FFE];
	[sflag:s23] =	ssyncadd.s32 $0xFFFFFFFF  }
0xa5: {  	s26 =	simm.s32 $execute0_lowered;
	[smem:$0x3FD2] =	sst s25  }
0xa6: {  	s4 =	sshll.u32 s26, $0x1;
	_ =	strace $0x80000046;
	[dreg:$0x1] =	wrdreg $0xFFFFFFFF  }
0xa7: {  	s28 =	simm.s32 $_size_execute0_lowered;
	s2 =	sadd.s32 s2, s4;
	[dreg:$0x0] =	wrdreg $0x0  }
0xa8: {  	s4 =	sshll.u32 s28, $0x1;
	[dreg:$0x2] =	wrdreg s2  }
0xa9: {  	[dreg:$0x3] =	wrdreg s4  }
0xaa: {  	[dreg:$0x4] =	wrdreg $0xC0  }
0xab: {  	_ =	task [dreg:s6], $0x5FFFF  }
0xac: {  	[dreg:$0x1] =	wrdreg $0xFFFFFFFF  }
0xad: {  	[dreg:$0x0] =	wrdreg $0x60  }
0xae: {  	[dreg:$0x2] =	wrdreg s24  }
0xaf: {  	[dreg:$0x3] =	wrdreg $0x9  }
0xb0: {  	_ =	task.clear_ibuf [dreg:s6], $0x4FFFF;
	_ =	strace $0x90000046  }
0xb1: {  	s29 =	simm.s32 $0x9;
	_ =	strace $0x80000048  }
0xb2: {  	_ =	swait.ge [sflag:s29], $0x1  }
0xb3: {  	[sflag:s29] =	ssyncadd.s32 $0xFFFFFFFF  }
0xb4: {  	_ =	strace $0x90000048  }
0xb5: {  	_ =	sfence  }
0xb6: {  	s30 =	sld [smem:$0x0];
	_ =	sdelay $0x2  }
0xb7: {  	s31 =	sshll.u32 s1, $0xD;
	s1 =	sshrl.u32 s1, $0x2  }
0xb8: {  	s3 =	sand.u32 $0x4000, s31;
	s1 =	sadd.s32 s1, s30  }
0xb9: {  	s0 =	sor.u32 s3, s0;
	s1 =	sshll.u32 s1, $0x11  }
0xba: {  	s0 =	sor.u32 s1, s0  }
0xbb: {  	s0 =	sadd.s32 $0x8F2B, s0  }
0xbc: {  	[sflag:s0] =	ssyncadd.remote.s32 $0x1  }
0xbd: {  	_ =	sfence.sel $0xFFFF  }
0xbe: {  	[dreg:$0x0] =	wrdreg $0xFFFFFFFF;
	(pc) =	sbr.abs _section_cstart, $3  }
0xbf: {  	[dreg:$0x1] =	wrdreg $0xFFFFFFFF  }
0xc0: {  	_ =	task.clear_ibuf [dreg:s6], $0x2FFFF;
	_ =	strace $0x9FFFFFFF  }
0xc1: {  	(tm) =	ssettm $0x7FFFFFFF  }
tec
execute0_lowered:
.L_overlay_start_1:
0x0: {  	(tag) =	ssettag $0x1  }
0x1: {  	s0 =	srdreg.scid  }
0x2: {  	s1 =	sshll.u32 s0, $0x4  }
0x3: {  	s0 =	stileid.u32;
	s1 =	sand.u32 $0x10, s1  }
0x4: {  	s1 =	sor.u32 s0, s1  }
0x5: {  	s2 =	smin.u32 s1, $0x12  }
0x6: {  	s2 =	sadd.s32 s1, s2  }
0x7: {  	p0 =	slt.u32 s1, $0x12;
	s1 =	simm.s32 $0x140;
	s2 =	smul.u32 $0xA0, s2  }
0x8: {  	s1 =	simm.s32 @!p0 $0xA0  }
0x9: {  	s1 =	sadd.s32 s1, s2  }
0xa: {  	s3 =	smin.u32 s1, $0x1F40  }
0xb: {  	s7 =	ssub.s32 s3, s2  }
0xc: {  	p0 =	sgt.s32 s7, $0x0  }
0xd: {  	s7 =	simm.s32 @!p0 $0x0  }
0xe: {  	s31 =	smul.u32 $0xCCCD, s7  }
0xf: {  	s4 =	rddreg [dreg:$0x0];
	s6 =	simm.s32 $0x1  }
0x10: {  	s10 =	simm.s32 $0x3;
	s13 =	simm.s32 $0x0;
	s8 =	sshrl.u32 s31, $0x17  }
0x11: {  	s12 =	simm.s32 $0x0;
	s5 =	sadd.s32 $0x400, s4;
	s9 =	smul.u32 $0xA0, s8  }
.Ltmp0:
0x12: {  	s11 =	smov.u32 s2;
	s1 =	rddreg [dreg:$0x1];
	(pc) =	sbr.rel .LBB2_1-.Ltmp0, $4  }
0x13: {  	_ =	strace $0x80000047;
	p0 =	sne.s32 s7, s9;
	s9 =	simm.s32 $0x1  }
0x14: {  	[sflag:s6] =	ssyncpa.u1 $0x0;
	s7 =	simm.s32 $0x2;
	s9 =	simm.s32 @!p0 $0x0  }
0x15: {  	[sflag:s7] =	ssyncpa.u1 $0x0;
	p0 =	por $0x0, $0x0;
	s8 =	sadd.s32 s8, s9  }
0x16: {  	vm0 =	vmmov $0xff;
	vm1 =	vcmask $0x3F20;
	s9 =	sadd.s32 $0x4E600, s4;
	[sflag:s10] =	ssyncpa.u1 $0x0;
	s10 =	sadd.s32 $0x1, s8  }
.LBB2_6:
0x17: {  	[hbm:s17] =	stream.linear.scatter [tilespmem:s14], [sflag:$0x3], $0x400, $0x38;
	[tilespmem:$0xA140] =	vst v63  }
.LBB2_7:
0x18: {  	s13 =	sadd.s32 $0xA0, s11  }
0x19: {  	s15 =	smov.u32 s2;
	p2 =	slt.s32 s13, s3  }
0x1a: {  	s15 =	smov.u32 @p2 s13;
	p2 =	sne.s32 s12, s10  }
.Ltmp1:
0x1b: {  	p1 =	slt.u32 s12, $0x2;
	(pc) =	sbr.rel @!p2 .LBB2_8-.Ltmp1, $4  }
0x1c: {  	s14 =	simm.s32 @!p1 $0x3  }
0x1d: {  	s16 =	sadd.s32 $0x1, s12;
	_ =	swait.ge @!p1 [sflag:s14], $0x5000  }
0x1e: {  	p0 =	por !p0, !p0;
	s13 =	smov.u32 s11;
	[sflag:s14] =	ssyncset.done @!p1 $0x0  }
0x1f: {  	s12 =	smov.u32 s16;
	s11 =	smov.u32 s15;
	[sflag:s14] =	ssyncadd.s32 @!p1 $0xFFFFB000  }
.LBB2_1:
0x20: {  	p1 =	sge.u32 s12, s8  }
0x21: {  	s14 =	sxor.u32 @!p1 $0xFFFFFFFF, s12  }
0x22: {  	s14 =	sand.u32 @!p1 $0x1, s14  }
0x23: {  	s14 =	smul.u32 @!p1 $0x280, s14  }
0x24: {  	s31 =	sadd.s32 $0xFFFFFFFF, s12;
	s15 =	sshrl.u32 @!p1 s11, $0x3  }
0x25: {  	s16 =	sand.u32 @!p1 $0x7, s11;
	s15 =	sadd.s32 @!p1 s4, s15;
	s14 =	sshrl.u32 @!p1 s14, $0x2  }
0x26: {  	[tilespmem:s14], [sflag:$0x2] =	stream.linear.gather @!p1 [hbm4b:s15+s16], $0xA0, $0x38;
	[tilespmem:$0xA140] =	vst v63  }
0x27: {  	p1 =	sge.u32 s31, s8  }
.Ltmp2:
0x28: {  	_ = 	snop;
	(pc) =	sbr.rel @p1 .LBB2_7-.Ltmp2, $1  }
0x29: {  	_ =	sdelay $0x3  }
0x2a: {  	s14 =	simm.s32 $0x1  }
0x2b: {  	s14 =	simm.s32 @!p0 $0x0  }
0x2c: {  	s15 =	smul.u32 $0x280, s14  }
0x2d: {  	_ =	swait.ge [sflag:s7], $0xA0  }
0x2e: {  	[sflag:s7] =	ssyncset.done $0x0;
	s16 =	sshrl.u32 s15, $0x2  }
0x2f: {  	[sflag:s7] =	ssyncadd.s32 $0xFFFFFF60;
	s15 =	sadd.s32 $0x0, s16  }
0x30: {  	v0 =	vld.msk [tilespmem:s15+$0x0 ss:$0x1], $0xffff;
	_ =	sdelay $0x4  }
0x31: {  	vm2 =	vgt.s32 v0, $0x0  }
0x32: {  	v0 =	vnsel vm2, $0x0, v0  }
0x33: {  	v0 =	vmin.u32 v0, $0x4E1F  }
0x34: {  	v0 =	vshll.u32 v0, $0x4  }
0x35: {  	s14 =	smul.u32 $0x14000, s14;
	_ =	sdelay $0x1  }
0x36: {  	s14 =	sshrl.u32 s14, $0x2  }
0x37: {  	s14 =	sor.u32 $0x140, s14  }
0x38: {  	[tilespmem:s14], [sflag:$0x1] =	stream.indirect_vreg.gather [hbm:s5], $0x80, v0, vm0, $0x38;
	[tilespmem:$0xA140] =	vst v63  }
0x39: {  	s17 =	sadd.s32 $0x10, s16;
	s15 =	sadd.s32 $0x400, s14  }
0x3a: {  	[tilespmem:s15], [sflag:$0x1] =	stream.indirect_vreg.gather [hbm:s5], $0x80, v0, vm1, $0x38;
	[tilespmem:$0xA140] =	vst v63  }
0x3b: {  	s18 =	simm.s32 $0x80;
	v0 =	vld.msk [tilespmem:s17+$0x0 ss:$0x1], $0xffff;
	s17 =	smov.u32 s14  }
.LBB2_3:
0x3c: {  	p1 =	sne.s32 s18, $0x240;
	_ =	sdelay $0x4  }
0x3d: {  	vm2 =	vgt.s32 v0, $0x0  }
0x3e: {  	v0 =	vnsel vm2, $0x0, v0  }
0x3f: {  	v0 =	vmin.u32 v0, $0x4E1F  }
0x40: {  	v0 =	vshll.u32 v0, $0x4;
	_ =	sdelay $0x3  }
.Ltmp3:
0x41: {  	s19 =	sshra.s32 s18, $0x2;
	s17 =	sadd.s32 $0x800, s17;
	(pc) =	sbr.rel @p1 .LBB2_3-.Ltmp3, $4  }
0x42: {  	[tilespmem:s17], [sflag:$0x1] =	stream.indirect_vreg.gather [hbm:s5], $0x80, v0, vm0, $0x38;
	[tilespmem:$0xA140] =	vst v63  }
0x43: {  	s19 =	sadd.s32 s19, s16;
	s20 =	sadd.s32 $0x400, s17  }
0x44: {  	[tilespmem:s20], [sflag:$0x1] =	stream.indirect_vreg.gather [hbm:s5], $0x80, v0, vm1, $0x38;
	[tilespmem:$0xA140] =	vst v63  }
0x45: {  	s18 =	sadd.s32 $0x40, s18;
	v0 =	vld.msk [tilespmem:s19+$0x0 ss:$0x1], $0xffff  }
0x46: {  	_ =	sdelay $0x3  }
0x47: {  	vm2 =	vgt.s32 v0, $0x0  }
0x48: {  	v0 =	vnsel vm2, $0x0, v0  }
0x49: {  	v0 =	vmin.u32 v0, $0x4E1F  }
0x4a: {  	v0 =	vshll.u32 v0, $0x4;
	_ =	sdelay $0x3  }
0x4b: {  	s16 =	sadd.s32 $0x800, s17  }
0x4c: {  	[tilespmem:s16], [sflag:$0x1] =	stream.indirect_vreg.gather [hbm:s5], $0x80, v0, vm0, $0x38;
	[tilespmem:$0xA140] =	vst v63  }
0x4d: {  	s16 =	sadd.s32 $0x400, s16  }
0x4e: {  	[tilespmem:s16], [sflag:$0x1] =	stream.indirect_vreg.gather [hbm:s5], $0x80, v0, vm1, $0x38;
	[tilespmem:$0xA140] =	vst v63  }
0x4f: {  	s13 =	sshll.u32 s13, $0x4;
	_ =	swait.ge [sflag:s6], $0x5000  }
0x50: {  	s13 =	sadd.s32 s13, s9;
	[sflag:s6] =	ssyncset.done $0x0  }
0x51: {  	s17 =	sadd.s32 $0x0, s13;
	s16 =	simm.s32 $0x80;
	[sflag:s6] =	ssyncadd.s32 $0xFFFFB000  }
.LBB2_5:
0x52: {  	[hbm:s17] =	stream.linear.scatter [tilespmem:s14], [sflag:$0x3], $0x400, $0x38;
	[tilespmem:$0xA140] =	vst v63  }
0x53: {  	s17 =	smov.u32 s16;
	s14 =	smov.u32 s15;
	p1 =	sne.s32 s16, $0x980  }
.Ltmp4:
0x54: {  	s16 =	sadd.s32 $0x80, s16;
	(pc) =	sbr.rel @p1 .LBB2_5-.Ltmp4, $2  }
0x55: {  	_ =	sdelay $0x2  }
0x56: {  	s15 =	sadd.s32 $0x400, s15;
	s17 =	sadd.s32 s17, s13  }
.Ltmp5:
0x57: {  	_ = 	snop;
	(pc) =	sbr.rel .LBB2_6-.Ltmp5, $1  }
0x58: {  	_ =	sdelay $0x3  }
.LBB2_8:
0x59: {  	_ =	sfence.sel $0x180000  }
0x5a: {  	s2 =	simm.s32 $0x2;
	[bflag:$0x0] =	sbarrier.arrive $0xFFFF  }
0x5b: {  	s30 =	simm.s32 $0x3;
	[sflag:s2] =	ssyncpa.u1 $0x1  }
0x5c: {  	s31 =	simm.s32 $0x1;
	[sflag:s30] =	ssyncpa.u1 $0x1  }
0x5d: {  	[sflag:s31] =	ssyncpa.u1 $0x1  }
0x5e: {  	p0 =	sne.s32 s0, $0x0;
	_ =	strace $0x90000047  }
0x5f: {  	s0 =	sadd.s32 @!p0 $0x100000, s1;
	[bflag:$0x2] =	sbarrier.arrive $0xFFFF  }
0x60: {  	[sflag:s0] =	ssyncadd.tile.s32 @!p0 $0x1;
	_ =	shalt  }
.Lfunc_end2:
_tile_overlayer_lowered:
.L_overlay_start_2:
0x61: {  	(tag) =	ssettag $0x2  }
0x62: {  	s0 =	rddreg [dreg:$0x0];
	s2 =	stileid.u32  }
0x63: {  	s1 =	rddreg [dreg:$0x1];
	p0 =	sne.s32 s2, $0x0  }
0x64: {  	s3 =	rddreg [dreg:$0x2];
	[bflag:$0x3] =	sbarrier.arrive $0xFFFF;
	s2 =	simm.s32 @!p0 $0x1C01  }
0x65: {  	[timem:s3], [sflag:s2] =	dma.local @!p0 [hbm:s0], s1  }
0x66: {  	s0 =	simm.s32 @!p0 $0x1  }
0x67: {  	_ =	swait.ge @!p0 [sflag:s0], s1  }
0x68: {  	s1 =	ssub.s32 @!p0 $0x0, s1;
	[sflag:s0] =	ssyncset.done @!p0 $0x0  }
0x69: {  	[sflag:s0] =	ssyncadd.s32 @!p0 s1  }
0x6a: {  	[bflag:$0x3] =	sbarrier.arrive $0xFFFF  }
0x6b: {  	_ =	shalt  }

</sc_bundles>
